<compile_context>
chip_gen: v7x
topology: tpu7x:2x2x1
jax: 0.10.2.dev20260603
libtpu: 0.0.44.dev20260713+nightly
codegen_flags: <defaults>
</compile_context>

<pallas_src>
import functools

import jax
import jax.numpy as jnp
from jax import lax
from jax.experimental import pallas as pl
from jax.experimental.pallas import tpu as pltpu
from jax.experimental.pallas import tpu_sc as plsc

N = 10000
E = 320000
D = 128

NC = 2
NS = 16
NW = NC * NS

CHUNK = 128
K = 80
KPH = K // 2
E_PAD = NW * K * CHUNK
N_ACC = 10112
RPT = N_ACC // NS

NBLK = 8
BLK = N_ACC // NBLK



_MESH = plsc.VectorSubcoreMesh(
    core_axis_name="c", subcore_axis_name="s", num_cores=NC, num_subcores=NS
)


def _sc_hist_body(dst_hbm, ones_hbm, zeros_hbm, out_hbm, dst_v, ones_v, acc, sem):
    c = lax.axis_index("c")
    s = lax.axis_index("s")
    w = c * NS + s
    pltpu.sync_copy(dst_hbm.at[w], dst_v)
    pltpu.sync_copy(ones_hbm, ones_v)

    @pl.when(s == 0)
    def _():
        pltpu.sync_copy(zeros_hbm, acc)

    plsc.subcore_barrier()

    def chunk(j):
        pltpu.sync_copy(ones_v, acc.at[dst_v.at[j]], add=True)

    pl.loop(0, K)(chunk)
    plsc.subcore_barrier()

    @pl.when(s == 0)
    def _():
        pltpu.sync_copy(acc, out_hbm.at[c])


_sc_hist = pl.kernel(
    _sc_hist_body,
    out_type=jax.ShapeDtypeStruct((NC, N_ACC), jnp.float32),
    mesh=_MESH,
    scratch_types=[
        pltpu.VMEM((K, CHUNK), jnp.int32),
        pltpu.VMEM((CHUNK,), jnp.float32),
        pltpu.VMEM_SHARED((N_ACC,), jnp.float32),
        pltpu.SemaphoreType.DMA,
    ],
)


BATCH = 2
GRP = CHUNK // 16


def _sc_agg_body(h_hbm, ei_hbm, zeros_hbm, out_hbm,
                 ei_v, su, du, buf, acc, gsem):
    c = lax.axis_index("c")
    s = lax.axis_index("s")
    w = c * NS + s
    pltpu.sync_copy(zeros_hbm, acc.at[pl.ds(s * RPT, RPT)])
    pltpu.sync_copy(ei_hbm.at[w], ei_v)
    plsc.subcore_barrier()

    def batch(j):
        gs = [pltpu.async_copy(h_hbm.at[ei_v.at[j + t]],
                               buf.at[pl.ds(t * CHUNK, CHUNK)], gsem)
              for t in range(BATCH)]
        for g in gs:
            g.wait()
        ss = [pltpu.async_copy(buf.at[pl.ds(t * CHUNK, CHUNK)],
                               acc.at[ei_v.at[j + t]], gsem, add=True)
              for t in range(BATCH)]
        for sc in ss:
            sc.wait()

    pl.loop(0, K, step=BATCH)(batch)

    plsc.subcore_barrier()
    pltpu.sync_copy(acc.at[pl.ds(s * RPT, RPT)], out_hbm.at[c, pl.ds(s * RPT, RPT)])


_sc_agg = pl.kernel(
    _sc_agg_body,
    out_type=jax.ShapeDtypeStruct((NC, N_ACC, D), jnp.float32),
    mesh=_MESH,
    scratch_types=[
        pltpu.VMEM((K, CHUNK), jnp.int32),
        pltpu.VMEM((BATCH, CHUNK), jnp.int32),
        pltpu.VMEM((BATCH, CHUNK), jnp.int32),
        pltpu.VMEM((BATCH * CHUNK, D), jnp.float32),
        pltpu.VMEM_SHARED((N_ACC, D), jnp.float32),
        pltpu.SemaphoreType.DMA,
    ],
)



def _dis(p_ref):
    deg = p_ref[:, 0:1] + p_ref[:, 1:2] + 1.0
    return lax.rsqrt(deg)


def _tc1_body(p_ref, x_ref, w_ref, o_ref):
    o_ref[...] = _dis(p_ref) * jnp.dot(
        x_ref[...], w_ref[...], preferred_element_type=jnp.float32
    )


def _tc2_body(a_ref, h_ref, p_ref, b_ref, w_ref, o_ref):
    dis = _dis(p_ref)
    z = jnp.maximum(dis * (a_ref[0] + a_ref[1] + h_ref[...]) + b_ref[...], 0.0)
    o_ref[...] = dis * jnp.dot(z, w_ref[...], preferred_element_type=jnp.float32)


def _tc3_body(a_ref, h_ref, p_ref, b_ref, wf_ref, bf_ref, o_ref):
    dis = _dis(p_ref)
    z = jnp.maximum(dis * (a_ref[0] + a_ref[1] + h_ref[...]) + b_ref[...], 0.0)
    o_ref[...] = jnp.tanh(
        jnp.dot(z, wf_ref[...], preferred_element_type=jnp.float32) + bf_ref[...]
    )


_spec_p = pl.BlockSpec((BLK, NC), lambda i: (i, 0))
_spec_a = pl.BlockSpec((NC, BLK, D), lambda i: (0, i, 0))
_spec_n = pl.BlockSpec((BLK, D), lambda i: (i, 0))
_spec_w = pl.BlockSpec((D, D), lambda i: (0, 0))
_spec_b = pl.BlockSpec((1, D), lambda i: (0, 0))
_out_n = jax.ShapeDtypeStruct((N_ACC, D), jnp.float32)

_tc1 = pl.pallas_call(
    _tc1_body, grid=(NBLK,),
    in_specs=[_spec_p, _spec_n, _spec_w],
    out_specs=_spec_n, out_shape=_out_n,
)
_tc2 = pl.pallas_call(
    _tc2_body, grid=(NBLK,),
    in_specs=[_spec_a, _spec_n, _spec_p, _spec_b, _spec_w],
    out_specs=_spec_n, out_shape=_out_n,
)
_tc3 = pl.pallas_call(
    _tc3_body, grid=(NBLK,),
    in_specs=[_spec_a, _spec_n, _spec_p, _spec_b, _spec_w, _spec_b],
    out_specs=_spec_n, out_shape=_out_n,
)



def kernel(x, edge_index, W1, b1, W2, b2, Wf, bf):
    src = edge_index[0].astype(jnp.int32)
    dst = edge_index[1].astype(jnp.int32)

    pad = E_PAD - E
    src_p = jnp.concatenate([src, jnp.full((pad,), N, jnp.int32)])
    dst_p = jnp.concatenate(
        [dst, N + (jnp.arange(pad, dtype=jnp.int32) % (N_ACC - N))]
    )
    src_p = src_p.reshape(K, NW, CHUNK).transpose(1, 0, 2)
    dst_p = dst_p.reshape(K, NW, CHUNK).transpose(1, 0, 2)

    ones_c = jnp.ones((CHUNK,), jnp.float32)
    zeros_1 = jnp.zeros((N_ACC,), jnp.float32)
    zeros_d = jnp.zeros((RPT, D), jnp.float32)

    x_pad = jnp.pad(x, ((0, N_ACC - N), (0, 0)))
    b1r = b1.reshape(1, D)
    b2r = b2.reshape(1, D)
    wf_pad = jnp.zeros((D, D), jnp.float32).at[:, : Wf.shape[1]].set(Wf)
    bf_pad = jnp.zeros((1, D), jnp.float32).at[0, : bf.shape[0]].set(bf)

    ei_packed = src_p + dst_p * 16384

    p = _sc_hist(dst_p, ones_c, zeros_1).T
    h1 = _tc1(p, x_pad, W1)
    a1 = _sc_agg(h1, src_p, zeros_d)
    h2 = _tc2(a1, h1, p, b1r, W2)
    a2 = _sc_agg(h2, src_p, zeros_d)
    out = _tc3(a2, h2, p, b2r, wf_pad, bf_pad)
    return out[:N, : Wf.shape[1]]

# --- scband reference (transcript-rebuilt; emitter-appended) ---
"""Pipeline reference for scband-residual-gnn-39247411151345 (READ-ONLY COPY).

The authoritative reference and input builder live on the scoring server;
editing this copy changes nothing except your own understanding.
"""

import jax, jax.numpy as jnp
import numpy as np

N_NODES = 10000
N_EDGES = 320000
D_IN = 128
D_HID = 128
N_CLASSES = 3


def gcn_conv(x, src, dst, W, b, num_nodes):
    # PyG GCNConv: add self-loops, symmetric normalization, linear, aggregate, bias
    loop = jnp.arange(num_nodes, dtype=src.dtype)
    s = jnp.concatenate([src, loop])
    d = jnp.concatenate([dst, loop])
    deg = jax.ops.segment_sum(jnp.ones(s.shape[0], dtype=x.dtype), d, num_segments=num_nodes)
    deg_inv_sqrt = jnp.where(deg > 0, deg ** -0.5, 0.0)
    norm = deg_inv_sqrt[s] * deg_inv_sqrt[d]
    h = x @ W
    msg = h[s] * norm[:, None]
    out = jax.ops.segment_sum(msg, d, num_segments=num_nodes)
    return out + b


def setup_inputs(seed: int = 0) -> dict:
    key = jax.random.key(seed)
    k1, k2, k3, k4, k5 = jax.random.split(key, 5)
    x = jax.random.normal(k1, (N_NODES, D_IN), dtype=jnp.float32)
    edge_index = jax.random.randint(k2, (2, N_EDGES), 0, N_NODES, dtype=jnp.int64)
    W1 = jax.random.normal(k3, (D_IN, D_HID), dtype=jnp.float32) * (1.0 / np.sqrt(D_IN))
    b1 = jnp.zeros((D_HID,), dtype=jnp.float32)
    W2 = jax.random.normal(k4, (D_HID, D_HID), dtype=jnp.float32) * (1.0 / np.sqrt(D_HID))
    b2 = jnp.zeros((D_HID,), dtype=jnp.float32)
    Wf = jax.random.normal(k5, (D_HID, N_CLASSES), dtype=jnp.float32) * (1.0 / np.sqrt(D_HID))
    bf = jnp.zeros((N_CLASSES,), dtype=jnp.float32)
    return {"x": x, "edge_index": edge_index, "W1": W1, "b1": b1, "W2": W2, "b2": b2, "Wf": Wf, "bf": bf}


def reference(x, edge_index, W1, b1, W2, b2, Wf, bf):
    num_nodes = x.shape[0]
    src = edge_index[0]
    dst = edge_index[1]
    h = gcn_conv(x, src, dst, W1, b1, num_nodes)
    h = jax.nn.relu(h)
    h = gcn_conv(h, src, dst, W2, b2, num_nodes)
    h = jax.nn.relu(h)
    out = h @ Wf + bf
    return jnp.tanh(out)

if __name__ == "__main__":
    import jax
    _d = setup_inputs()
    print(jax.jit(kernel)(*tuple(_d.values())))

</pallas_src>

<mosaic_0001>
#map = affine_map<(d0, d1) -> (0, 0)>
#map1 = affine_map<(d0, d1) -> (0, 0, 0)>
module attributes {stable_mosaic.version = 14 : i64} {
  func.func @_sc_agg_body(%arg0: i32, %arg1: i32, %arg2: memref<10112x128xf32, #tpu.memory_space<hbm>>, %arg3: memref<32x80x128xi32, #tpu.memory_space<hbm>>, %arg4: memref<632x128xf32, #tpu.memory_space<hbm>>, %arg5: memref<2x10112x128xf32, #tpu.memory_space<hbm>>, %arg6: memref<80x128xi32, #tpu.memory_space<vmem>>, %arg7: memref<2x128xi32, #tpu.memory_space<vmem>>, %arg8: memref<2x128xi32, #tpu.memory_space<vmem>>, %arg9: memref<256x128xf32, #tpu.memory_space<vmem>>, %arg10: memref<10112x128xf32, #tpu.memory_space<vmem_shared>>, %arg11: memref<!tpu.dma_semaphore, #tpu.memory_space<semaphore_mem>>) attributes {dimension_semantics = [#tpu.dimension_semantics<core_parallel>, #tpu.dimension_semantics<subcore_parallel>], iteration_bounds = array<i64: 2, 16>, scalar_prefetch = 0 : i64, scratch_operands = 6 : i64, tpu.core_type = #tpu.core_type<sc_vector_subcore>, window_params = [{transform_indices = #map}, {transform_indices = #map1}, {transform_indices = #map}, {transform_indices = #map1}]} {
    %mul3A = arith.constant 16 : i32
    %mul3A_0 = arith.muli %arg0, %mul3A : i32
    %add3A = arith.addi %mul3A_0, %arg1 : i32
    %mul3A_1 = arith.constant 632 : i32
    %mul3A_2 = arith.muli %arg1, %mul3A_1 : i32
    "tpu.region"() ({
      %run_scoped3A = tpu.sem_alloc : memref<!tpu.dma_semaphore, #tpu.memory_space<semaphore_mem>>
      %dma_start3A = arith.constant 0 : i32
      %dma_start3A_12 = tpu.memref_slice %arg10[%mul3A_2, %dma_start3A] : memref<10112x128xf32, #tpu.memory_space<vmem_shared>> -> memref<632x128xf32, #tpu.memory_space<vmem_shared>>
      tpu.enqueue_dma source(%arg4 : memref<632x128xf32, #tpu.memory_space<hbm>>) target(%dma_start3A_12 : memref<632x128xf32, #tpu.memory_space<vmem_shared>>) target_semaphore(%run_scoped3A : memref<!tpu.dma_semaphore, #tpu.memory_space<semaphore_mem>>)
      %dma_wait3A = arith.constant 0 : i32
      %dma_wait3A_13 = tpu.memref_slice %arg10[%mul3A_2, %dma_wait3A] : memref<10112x128xf32, #tpu.memory_space<vmem_shared>> -> memref<632x128xf32, #tpu.memory_space<vmem_shared>>
      tpu.wait_dma2 semaphore(%run_scoped3A : memref<!tpu.dma_semaphore, #tpu.memory_space<semaphore_mem>>) src(%arg4 : memref<632x128xf32, #tpu.memory_space<hbm>>) dst(%dma_wait3A_13 : memref<632x128xf32, #tpu.memory_space<vmem_shared>>)
      tpu.yield
    }) : () -> ()
    "tpu.region"() ({
      %run_scoped3A = tpu.sem_alloc : memref<!tpu.dma_semaphore, #tpu.memory_space<semaphore_mem>>
      %dma_start3A = arith.constant 0 : i32
      %dma_start3A_12 = arith.constant 0 : i32
      %dma_start3A_13 = tpu.memref_slice %arg3[%add3A, %dma_start3A, %dma_start3A_12] : memref<32x80x128xi32, #tpu.memory_space<hbm>> -> memref<1x80x128xi32, #tpu.memory_space<hbm>>
      %dma_start3A_14 = tpu.memref_squeeze %dma_start3A_13 : memref<1x80x128xi32, #tpu.memory_space<hbm>> -> memref<80x128xi32, #tpu.memory_space<hbm>>
      %dma_start3A_15 = arith.constant 0 : i32
      %dma_start3A_16 = arith.constant 0 : i32
      %dma_start3A_17 = tpu.memref_slice %arg3[%add3A, %dma_start3A_15, %dma_start3A_16] : memref<32x80x128xi32, #tpu.memory_space<hbm>> -> memref<1x80x128xi32, #tpu.memory_space<hbm>>
      %dma_start3A_18 = tpu.memref_squeeze %dma_start3A_17 : memref<1x80x128xi32, #tpu.memory_space<hbm>> -> memref<80x128xi32, #tpu.memory_space<hbm>>
      tpu.enqueue_dma source(%dma_start3A_18 : memref<80x128xi32, #tpu.memory_space<hbm>>) target(%arg6 : memref<80x128xi32, #tpu.memory_space<vmem>>) target_semaphore(%run_scoped3A : memref<!tpu.dma_semaphore, #tpu.memory_space<semaphore_mem>>)
      %dma_wait3A = arith.constant 0 : i32
      %dma_wait3A_19 = arith.constant 0 : i32
      %dma_wait3A_20 = tpu.memref_slice %arg3[%add3A, %dma_wait3A, %dma_wait3A_19] : memref<32x80x128xi32, #tpu.memory_space<hbm>> -> memref<1x80x128xi32, #tpu.memory_space<hbm>>
      %dma_wait3A_21 = tpu.memref_squeeze %dma_wait3A_20 : memref<1x80x128xi32, #tpu.memory_space<hbm>> -> memref<80x128xi32, #tpu.memory_space<hbm>>
      %dma_wait3A_22 = arith.constant 0 : i32
      %dma_wait3A_23 = arith.constant 0 : i32
      %dma_wait3A_24 = tpu.memref_slice %arg3[%add3A, %dma_wait3A_22, %dma_wait3A_23] : memref<32x80x128xi32, #tpu.memory_space<hbm>> -> memref<1x80x128xi32, #tpu.memory_space<hbm>>
      %dma_wait3A_25 = tpu.memref_squeeze %dma_wait3A_24 : memref<1x80x128xi32, #tpu.memory_space<hbm>> -> memref<80x128xi32, #tpu.memory_space<hbm>>
      tpu.wait_dma2 semaphore(%run_scoped3A : memref<!tpu.dma_semaphore, #tpu.memory_space<semaphore_mem>>) src(%dma_wait3A_25 : memref<80x128xi32, #tpu.memory_space<hbm>>) dst(%arg6 : memref<80x128xi32, #tpu.memory_space<vmem>>)
      tpu.yield
    }) : () -> ()
    %barrier3A = arith.constant 0 : index
    tpu.barrier barrier_id(%barrier3A)
    %scan3A = arith.constant 0 : i32
    %scan3A_3 = arith.constant 40 : i32
    %scan3A_4 = arith.addi %scan3A, %scan3A_3 : i32
    %scan3A_5 = arith.constant 1 : i32
    scf.for %scan3A_12 = %scan3A to %scan3A_4 step %scan3A_5  : i32 {
      %mul3A_13 = arith.constant 2 : i32
      %mul3A_14 = arith.muli %scan3A_12, %mul3A_13 : i32
      %add3A_15 = arith.constant 0 : i32
      %add3A_16 = arith.addi %add3A_15, %mul3A_14 : i32
      %add3A_17 = arith.constant 0 : i32
      %add3A_18 = arith.addi %add3A_16, %add3A_17 : i32
      %dma_start3A = arith.constant 0 : i32
      %dma_start3A_19 = arith.constant 0 : i32
      %dma_start3A_20 = tpu.memref_slice %arg9[%dma_start3A, %dma_start3A_19] : memref<256x128xf32, #tpu.memory_space<vmem>> -> memref<128x128xf32, #tpu.memory_space<vmem>>
      %dma_start3A_21 = arith.constant 0 : i32
      %dma_start3A_22 = tpu.memref_slice %arg6[%add3A_18, %dma_start3A_21] : memref<80x128xi32, #tpu.memory_space<vmem>> -> memref<1x128xi32, #tpu.memory_space<vmem>>
      %dma_start3A_23 = tpu.memref_squeeze %dma_start3A_22 : memref<1x128xi32, #tpu.memory_space<vmem>> -> memref<128xi32, #tpu.memory_space<vmem>>
      %dma_start3A_24 = arith.constant 0 : i32
      %dma_start3A_25 = arith.constant 0 : i32
      %dma_start3A_26 = tpu.memref_slice %arg2[%dma_start3A_24, %dma_start3A_25] : memref<10112x128xf32, #tpu.memory_space<hbm>> -> memref<10112x128xf32, #tpu.memory_space<hbm>>
      tpu.enqueue_indirect_dma source(%dma_start3A_26 : memref<10112x128xf32, #tpu.memory_space<hbm>>) target(%dma_start3A_20 : memref<128x128xf32, #tpu.memory_space<vmem>>) offsets(%dma_start3A_23 : memref<128xi32, #tpu.memory_space<vmem>>) semaphore(%arg11 : memref<!tpu.dma_semaphore, #tpu.memory_space<semaphore_mem>>)
      %add3A_27 = arith.constant 1 : i32
      %add3A_28 = arith.addi %add3A_16, %add3A_27 : i32
      %dma_start3A_29 = arith.constant 128 : i32
      %dma_start3A_30 = arith.constant 0 : i32
      %dma_start3A_31 = tpu.memref_slice %arg9[%dma_start3A_29, %dma_start3A_30] : memref<256x128xf32, #tpu.memory_space<vmem>> -> memref<128x128xf32, #tpu.memory_space<vmem>>
      %dma_start3A_32 = arith.constant 0 : i32
      %dma_start3A_33 = tpu.memref_slice %arg6[%add3A_28, %dma_start3A_32] : memref<80x128xi32, #tpu.memory_space<vmem>> -> memref<1x128xi32, #tpu.memory_space<vmem>>
      %dma_start3A_34 = tpu.memref_squeeze %dma_start3A_33 : memref<1x128xi32, #tpu.memory_space<vmem>> -> memref<128xi32, #tpu.memory_space<vmem>>
      %dma_start3A_35 = arith.constant 0 : i32
      %dma_start3A_36 = arith.constant 0 : i32
      %dma_start3A_37 = tpu.memref_slice %arg2[%dma_start3A_35, %dma_start3A_36] : memref<10112x128xf32, #tpu.memory_space<hbm>> -> memref<10112x128xf32, #tpu.memory_space<hbm>>
      tpu.enqueue_indirect_dma source(%dma_start3A_37 : memref<10112x128xf32, #tpu.memory_space<hbm>>) target(%dma_start3A_31 : memref<128x128xf32, #tpu.memory_space<vmem>>) offsets(%dma_start3A_34 : memref<128xi32, #tpu.memory_space<vmem>>) semaphore(%arg11 : memref<!tpu.dma_semaphore, #tpu.memory_space<semaphore_mem>>)
      %dma_wait3A = arith.constant 0 : i32
      %dma_wait3A_38 = arith.constant 0 : i32
      %dma_wait3A_39 = tpu.memref_slice %arg9[%dma_wait3A, %dma_wait3A_38] : memref<256x128xf32, #tpu.memory_space<vmem>> -> memref<128x128xf32, #tpu.memory_space<vmem>>
      %dma_wait3A_40 = arith.constant 0 : i32
      %dma_wait3A_41 = tpu.memref_slice %arg6[%add3A_18, %dma_wait3A_40] : memref<80x128xi32, #tpu.memory_space<vmem>> -> memref<1x128xi32, #tpu.memory_space<vmem>>
      %dma_wait3A_42 = tpu.memref_squeeze %dma_wait3A_41 : memref<1x128xi32, #tpu.memory_space<vmem>> -> memref<128xi32, #tpu.memory_space<vmem>>
      %dma_wait3A_43 = arith.constant 0 : i32
      %dma_wait3A_44 = arith.constant 0 : i32
      %dma_wait3A_45 = tpu.memref_slice %arg2[%dma_wait3A_43, %dma_wait3A_44] : memref<10112x128xf32, #tpu.memory_space<hbm>> -> memref<10112x128xf32, #tpu.memory_space<hbm>>
      tpu.wait_indirect_dma semaphore(%arg11 : memref<!tpu.dma_semaphore, #tpu.memory_space<semaphore_mem>>) src(%dma_wait3A_45 : memref<10112x128xf32, #tpu.memory_space<hbm>>) dst(%dma_wait3A_39 : memref<128x128xf32, #tpu.memory_space<vmem>>)
      %dma_wait3A_46 = arith.constant 128 : i32
      %dma_wait3A_47 = arith.constant 0 : i32
      %dma_wait3A_48 = tpu.memref_slice %arg9[%dma_wait3A_46, %dma_wait3A_47] : memref<256x128xf32, #tpu.memory_space<vmem>> -> memref<128x128xf32, #tpu.memory_space<vmem>>
      %dma_wait3A_49 = arith.constant 0 : i32
      %dma_wait3A_50 = tpu.memref_slice %arg6[%add3A_28, %dma_wait3A_49] : memref<80x128xi32, #tpu.memory_space<vmem>> -> memref<1x128xi32, #tpu.memory_space<vmem>>
      %dma_wait3A_51 = tpu.memref_squeeze %dma_wait3A_50 : memref<1x128xi32, #tpu.memory_space<vmem>> -> memref<128xi32, #tpu.memory_space<vmem>>
      %dma_wait3A_52 = arith.constant 0 : i32
      %dma_wait3A_53 = arith.constant 0 : i32
      %dma_wait3A_54 = tpu.memref_slice %arg2[%dma_wait3A_52, %dma_wait3A_53] : memref<10112x128xf32, #tpu.memory_space<hbm>> -> memref<10112x128xf32, #tpu.memory_space<hbm>>
      tpu.wait_indirect_dma semaphore(%arg11 : memref<!tpu.dma_semaphore, #tpu.memory_space<semaphore_mem>>) src(%dma_wait3A_54 : memref<10112x128xf32, #tpu.memory_space<hbm>>) dst(%dma_wait3A_48 : memref<128x128xf32, #tpu.memory_space<vmem>>)
      %add3A_55 = arith.constant 0 : i32
      %add3A_56 = arith.addi %add3A_16, %add3A_55 : i32
      %dma_start3A_57 = arith.constant 0 : i32
      %dma_start3A_58 = arith.constant 0 : i32
      %dma_start3A_59 = tpu.memref_slice %arg9[%dma_start3A_57, %dma_start3A_58] : memref<256x128xf32, #tpu.memory_space<vmem>> -> memref<128x128xf32, #tpu.memory_space<vmem>>
      %dma_start3A_60 = arith.constant 0 : i32
      %dma_start3A_61 = tpu.memref_slice %arg6[%add3A_56, %dma_start3A_60] : memref<80x128xi32, #tpu.memory_space<vmem>> -> memref<1x128xi32, #tpu.memory_space<vmem>>
      %dma_start3A_62 = tpu.memref_squeeze %dma_start3A_61 : memref<1x128xi32, #tpu.memory_space<vmem>> -> memref<128xi32, #tpu.memory_space<vmem>>
      %dma_start3A_63 = arith.constant 0 : i32
      %dma_start3A_64 = arith.constant 0 : i32
      %dma_start3A_65 = tpu.memref_slice %arg10[%dma_start3A_63, %dma_start3A_64] : memref<10112x128xf32, #tpu.memory_space<vmem_shared>> -> memref<10112x128xf32, #tpu.memory_space<vmem_shared>>
      tpu.enqueue_indirect_dma source(%dma_start3A_59 : memref<128x128xf32, #tpu.memory_space<vmem>>) target(%dma_start3A_65 : memref<10112x128xf32, #tpu.memory_space<vmem_shared>>) offsets(%dma_start3A_62 : memref<128xi32, #tpu.memory_space<vmem>>) semaphore(%arg11 : memref<!tpu.dma_semaphore, #tpu.memory_space<semaphore_mem>>) {add = true}
      %add3A_66 = arith.constant 1 : i32
      %add3A_67 = arith.addi %add3A_16, %add3A_66 : i32
      %dma_start3A_68 = arith.constant 128 : i32
      %dma_start3A_69 = arith.constant 0 : i32
      %dma_start3A_70 = tpu.memref_slice %arg9[%dma_start3A_68, %dma_start3A_69] : memref<256x128xf32, #tpu.memory_space<vmem>> -> memref<128x128xf32, #tpu.memory_space<vmem>>
      %dma_start3A_71 = arith.constant 0 : i32
      %dma_start3A_72 = tpu.memref_slice %arg6[%add3A_67, %dma_start3A_71] : memref<80x128xi32, #tpu.memory_space<vmem>> -> memref<1x128xi32, #tpu.memory_space<vmem>>
      %dma_start3A_73 = tpu.memref_squeeze %dma_start3A_72 : memref<1x128xi32, #tpu.memory_space<vmem>> -> memref<128xi32, #tpu.memory_space<vmem>>
      %dma_start3A_74 = arith.constant 0 : i32
      %dma_start3A_75 = arith.constant 0 : i32
      %dma_start3A_76 = tpu.memref_slice %arg10[%dma_start3A_74, %dma_start3A_75] : memref<10112x128xf32, #tpu.memory_space<vmem_shared>> -> memref<10112x128xf32, #tpu.memory_space<vmem_shared>>
      tpu.enqueue_indirect_dma source(%dma_start3A_70 : memref<128x128xf32, #tpu.memory_space<vmem>>) target(%dma_start3A_76 : memref<10112x128xf32, #tpu.memory_space<vmem_shared>>) offsets(%dma_start3A_73 : memref<128xi32, #tpu.memory_space<vmem>>) semaphore(%arg11 : memref<!tpu.dma_semaphore, #tpu.memory_space<semaphore_mem>>) {add = true}
      %dma_wait3A_77 = arith.constant 0 : i32
      %dma_wait3A_78 = arith.constant 0 : i32
      %dma_wait3A_79 = tpu.memref_slice %arg9[%dma_wait3A_77, %dma_wait3A_78] : memref<256x128xf32, #tpu.memory_space<vmem>> -> memref<128x128xf32, #tpu.memory_space<vmem>>
      %dma_wait3A_80 = arith.constant 0 : i32
      %dma_wait3A_81 = tpu.memref_slice %arg6[%add3A_56, %dma_wait3A_80] : memref<80x128xi32, #tpu.memory_space<vmem>> -> memref<1x128xi32, #tpu.memory_space<vmem>>
      %dma_wait3A_82 = tpu.memref_squeeze %dma_wait3A_81 : memref<1x128xi32, #tpu.memory_space<vmem>> -> memref<128xi32, #tpu.memory_space<vmem>>
      %dma_wait3A_83 = arith.constant 0 : i32
      %dma_wait3A_84 = arith.constant 0 : i32
      %dma_wait3A_85 = tpu.memref_slice %arg10[%dma_wait3A_83, %dma_wait3A_84] : memref<10112x128xf32, #tpu.memory_space<vmem_shared>> -> memref<10112x128xf32, #tpu.memory_space<vmem_shared>>
      tpu.wait_indirect_dma semaphore(%arg11 : memref<!tpu.dma_semaphore, #tpu.memory_space<semaphore_mem>>) src(%dma_wait3A_79 : memref<128x128xf32, #tpu.memory_space<vmem>>) dst(%dma_wait3A_85 : memref<10112x128xf32, #tpu.memory_space<vmem_shared>>)
      %dma_wait3A_86 = arith.constant 128 : i32
      %dma_wait3A_87 = arith.constant 0 : i32
      %dma_wait3A_88 = tpu.memref_slice %arg9[%dma_wait3A_86, %dma_wait3A_87] : memref<256x128xf32, #tpu.memory_space<vmem>> -> memref<128x128xf32, #tpu.memory_space<vmem>>
      %dma_wait3A_89 = arith.constant 0 : i32
      %dma_wait3A_90 = tpu.memref_slice %arg6[%add3A_67, %dma_wait3A_89] : memref<80x128xi32, #tpu.memory_space<vmem>> -> memref<1x128xi32, #tpu.memory_space<vmem>>
      %dma_wait3A_91 = tpu.memref_squeeze %dma_wait3A_90 : memref<1x128xi32, #tpu.memory_space<vmem>> -> memref<128xi32, #tpu.memory_space<vmem>>
      %dma_wait3A_92 = arith.constant 0 : i32
      %dma_wait3A_93 = arith.constant 0 : i32
      %dma_wait3A_94 = tpu.memref_slice %arg10[%dma_wait3A_92, %dma_wait3A_93] : memref<10112x128xf32, #tpu.memory_space<vmem_shared>> -> memref<10112x128xf32, #tpu.memory_space<vmem_shared>>
      tpu.wait_indirect_dma semaphore(%arg11 : memref<!tpu.dma_semaphore, #tpu.memory_space<semaphore_mem>>) src(%dma_wait3A_88 : memref<128x128xf32, #tpu.memory_space<vmem>>) dst(%dma_wait3A_94 : memref<10112x128xf32, #tpu.memory_space<vmem_shared>>)
    }
    %scan3A_6 = arith.constant 40 : i32
    %barrier3A_7 = arith.constant 0 : index
    tpu.barrier barrier_id(%barrier3A_7)
    %mul3A_8 = arith.constant 632 : i32
    %mul3A_9 = arith.muli %arg1, %mul3A_8 : i32
    %mul3A_10 = arith.constant 632 : i32
    %mul3A_11 = arith.muli %arg1, %mul3A_10 : i32
    "tpu.region"() ({
      %run_scoped3A = tpu.sem_alloc : memref<!tpu.dma_semaphore, #tpu.memory_space<semaphore_mem>>
      %dma_start3A = arith.constant 0 : i32
      %dma_start3A_12 = tpu.memref_slice %arg5[%arg0, %mul3A_11, %dma_start3A] : memref<2x10112x128xf32, #tpu.memory_space<hbm>> -> memref<1x632x128xf32, #tpu.memory_space<hbm>>
      %dma_start3A_13 = tpu.memref_squeeze %dma_start3A_12 : memref<1x632x128xf32, #tpu.memory_space<hbm>> -> memref<632x128xf32, #tpu.memory_space<hbm>>
      %dma_start3A_14 = arith.constant 0 : i32
      %dma_start3A_15 = tpu.memref_slice %arg10[%mul3A_9, %dma_start3A_14] : memref<10112x128xf32, #tpu.memory_space<vmem_shared>> -> memref<632x128xf32, #tpu.memory_space<vmem_shared>>
      tpu.enqueue_dma source(%dma_start3A_15 : memref<632x128xf32, #tpu.memory_space<vmem_shared>>) target(%dma_start3A_13 : memref<632x128xf32, #tpu.memory_space<hbm>>) target_semaphore(%run_scoped3A : memref<!tpu.dma_semaphore, #tpu.memory_space<semaphore_mem>>)
      %dma_wait3A = arith.constant 0 : i32
      %dma_wait3A_16 = tpu.memref_slice %arg5[%arg0, %mul3A_11, %dma_wait3A] : memref<2x10112x128xf32, #tpu.memory_space<hbm>> -> memref<1x632x128xf32, #tpu.memory_space<hbm>>
      %dma_wait3A_17 = tpu.memref_squeeze %dma_wait3A_16 : memref<1x632x128xf32, #tpu.memory_space<hbm>> -> memref<632x128xf32, #tpu.memory_space<hbm>>
      %dma_wait3A_18 = arith.constant 0 : i32
      %dma_wait3A_19 = tpu.memref_slice %arg10[%mul3A_9, %dma_wait3A_18] : memref<10112x128xf32, #tpu.memory_space<vmem_shared>> -> memref<632x128xf32, #tpu.memory_space<vmem_shared>>
      tpu.wait_dma2 semaphore(%run_scoped3A : memref<!tpu.dma_semaphore, #tpu.memory_space<semaphore_mem>>) src(%dma_wait3A_19 : memref<632x128xf32, #tpu.memory_space<vmem_shared>>) dst(%dma_wait3A_17 : memref<632x128xf32, #tpu.memory_space<hbm>>)
      tpu.yield
    }) : () -> ()
    return
  }
}

#map = affine_map<(d0, d1) -> (0, 0, 0)>
#map1 = affine_map<(d0, d1) -> (0)>
#map2 = affine_map<(d0, d1) -> (0, 0)>
module attributes {stable_mosaic.version = 14 : i64} {
  func.func @_sc_hist_body(%arg0: i32, %arg1: i32, %arg2: memref<32x80x128xi32, #tpu.memory_space<hbm>>, %arg3: memref<128xf32, #tpu.memory_space<hbm>>, %arg4: memref<10112xf32, #tpu.memory_space<hbm>>, %arg5: memref<2x10112xf32, #tpu.memory_space<hbm>>, %arg6: memref<80x128xi32, #tpu.memory_space<vmem>>, %arg7: memref<128xf32, #tpu.memory_space<vmem>>, %arg8: memref<10112xf32, #tpu.memory_space<vmem_shared>>, %arg9: memref<!tpu.dma_semaphore, #tpu.memory_space<semaphore_mem>>) attributes {dimension_semantics = [#tpu.dimension_semantics<core_parallel>, #tpu.dimension_semantics<subcore_parallel>], iteration_bounds = array<i64: 2, 16>, scalar_prefetch = 0 : i64, scratch_operands = 4 : i64, tpu.core_type = #tpu.core_type<sc_vector_subcore>, window_params = [{transform_indices = #map}, {transform_indices = #map1}, {transform_indices = #map1}, {transform_indices = #map2}]} {
    %mul3A = arith.constant 16 : i32
    %mul3A_0 = arith.muli %arg0, %mul3A : i32
    %add3A = arith.addi %mul3A_0, %arg1 : i32
    "tpu.region"() ({
      %run_scoped3A = tpu.sem_alloc : memref<!tpu.dma_semaphore, #tpu.memory_space<semaphore_mem>>
      %dma_start3A = arith.constant 0 : i32
      %dma_start3A_13 = arith.constant 0 : i32
      %dma_start3A_14 = tpu.memref_slice %arg2[%add3A, %dma_start3A, %dma_start3A_13] : memref<32x80x128xi32, #tpu.memory_space<hbm>> -> memref<1x80x128xi32, #tpu.memory_space<hbm>>
      %dma_start3A_15 = tpu.memref_squeeze %dma_start3A_14 : memref<1x80x128xi32, #tpu.memory_space<hbm>> -> memref<80x128xi32, #tpu.memory_space<hbm>>
      %dma_start3A_16 = arith.constant 0 : i32
      %dma_start3A_17 = arith.constant 0 : i32
      %dma_start3A_18 = tpu.memref_slice %arg2[%add3A, %dma_start3A_16, %dma_start3A_17] : memref<32x80x128xi32, #tpu.memory_space<hbm>> -> memref<1x80x128xi32, #tpu.memory_space<hbm>>
      %dma_start3A_19 = tpu.memref_squeeze %dma_start3A_18 : memref<1x80x128xi32, #tpu.memory_space<hbm>> -> memref<80x128xi32, #tpu.memory_space<hbm>>
      tpu.enqueue_dma source(%dma_start3A_19 : memref<80x128xi32, #tpu.memory_space<hbm>>) target(%arg6 : memref<80x128xi32, #tpu.memory_space<vmem>>) target_semaphore(%run_scoped3A : memref<!tpu.dma_semaphore, #tpu.memory_space<semaphore_mem>>)
      %dma_wait3A = arith.constant 0 : i32
      %dma_wait3A_20 = arith.constant 0 : i32
      %dma_wait3A_21 = tpu.memref_slice %arg2[%add3A, %dma_wait3A, %dma_wait3A_20] : memref<32x80x128xi32, #tpu.memory_space<hbm>> -> memref<1x80x128xi32, #tpu.memory_space<hbm>>
      %dma_wait3A_22 = tpu.memref_squeeze %dma_wait3A_21 : memref<1x80x128xi32, #tpu.memory_space<hbm>> -> memref<80x128xi32, #tpu.memory_space<hbm>>
      %dma_wait3A_23 = arith.constant 0 : i32
      %dma_wait3A_24 = arith.constant 0 : i32
      %dma_wait3A_25 = tpu.memref_slice %arg2[%add3A, %dma_wait3A_23, %dma_wait3A_24] : memref<32x80x128xi32, #tpu.memory_space<hbm>> -> memref<1x80x128xi32, #tpu.memory_space<hbm>>
      %dma_wait3A_26 = tpu.memref_squeeze %dma_wait3A_25 : memref<1x80x128xi32, #tpu.memory_space<hbm>> -> memref<80x128xi32, #tpu.memory_space<hbm>>
      tpu.wait_dma2 semaphore(%run_scoped3A : memref<!tpu.dma_semaphore, #tpu.memory_space<semaphore_mem>>) src(%dma_wait3A_26 : memref<80x128xi32, #tpu.memory_space<hbm>>) dst(%arg6 : memref<80x128xi32, #tpu.memory_space<vmem>>)
      tpu.yield
    }) : () -> ()
    "tpu.region"() ({
      %run_scoped3A = tpu.sem_alloc : memref<!tpu.dma_semaphore, #tpu.memory_space<semaphore_mem>>
      tpu.enqueue_dma source(%arg3 : memref<128xf32, #tpu.memory_space<hbm>>) target(%arg7 : memref<128xf32, #tpu.memory_space<vmem>>) target_semaphore(%run_scoped3A : memref<!tpu.dma_semaphore, #tpu.memory_space<semaphore_mem>>)
      tpu.wait_dma2 semaphore(%run_scoped3A : memref<!tpu.dma_semaphore, #tpu.memory_space<semaphore_mem>>) src(%arg3 : memref<128xf32, #tpu.memory_space<hbm>>) dst(%arg7 : memref<128xf32, #tpu.memory_space<vmem>>)
      tpu.yield
    }) : () -> ()
    %eq3A = arith.constant 0 : i32
    %eq3A_1 = arith.cmpi eq, %arg1, %eq3A : i32
    %convert_element_type3A = arith.extui %eq3A_1 : i1 to i32
    %cond3A = arith.constant 0 : i32
    %cond3A_2 = arith.cmpi ne, %convert_element_type3A, %cond3A : i32
    scf.if %cond3A_2 {
      "tpu.region"() ({
        %run_scoped3A = tpu.sem_alloc : memref<!tpu.dma_semaphore, #tpu.memory_space<semaphore_mem>>
        tpu.enqueue_dma source(%arg4 : memref<10112xf32, #tpu.memory_space<hbm>>) target(%arg8 : memref<10112xf32, #tpu.memory_space<vmem_shared>>) target_semaphore(%run_scoped3A : memref<!tpu.dma_semaphore, #tpu.memory_space<semaphore_mem>>)
        tpu.wait_dma2 semaphore(%run_scoped3A : memref<!tpu.dma_semaphore, #tpu.memory_space<semaphore_mem>>) src(%arg4 : memref<10112xf32, #tpu.memory_space<hbm>>) dst(%arg8 : memref<10112xf32, #tpu.memory_space<vmem_shared>>)
        tpu.yield
      }) : () -> ()
    } else {
    }
    %barrier3A = arith.constant 0 : index
    tpu.barrier barrier_id(%barrier3A)
    %scan3A = arith.constant 0 : i32
    %scan3A_3 = arith.constant 80 : i32
    %scan3A_4 = arith.addi %scan3A, %scan3A_3 : i32
    %scan3A_5 = arith.constant 1 : i32
    scf.for %scan3A_13 = %scan3A to %scan3A_4 step %scan3A_5  : i32 {
      %mul3A_14 = arith.constant 1 : i32
      %mul3A_15 = arith.muli %scan3A_13, %mul3A_14 : i32
      %add3A_16 = arith.constant 0 : i32
      %add3A_17 = arith.addi %add3A_16, %mul3A_15 : i32
      "tpu.region"() ({
        %run_scoped3A = tpu.sem_alloc : memref<!tpu.dma_semaphore, #tpu.memory_space<semaphore_mem>>
        %dma_start3A = arith.constant 0 : i32
        %dma_start3A_18 = tpu.memref_slice %arg6[%add3A_17, %dma_start3A] : memref<80x128xi32, #tpu.memory_space<vmem>> -> memref<1x128xi32, #tpu.memory_space<vmem>>
        %dma_start3A_19 = tpu.memref_squeeze %dma_start3A_18 : memref<1x128xi32, #tpu.memory_space<vmem>> -> memref<128xi32, #tpu.memory_space<vmem>>
        %dma_start3A_20 = arith.constant 0 : i32
        %dma_start3A_21 = tpu.memref_slice %arg8[%dma_start3A_20] : memref<10112xf32, #tpu.memory_space<vmem_shared>> -> memref<10112xf32, #tpu.memory_space<vmem_shared>>
        tpu.enqueue_indirect_dma source(%arg7 : memref<128xf32, #tpu.memory_space<vmem>>) target(%dma_start3A_21 : memref<10112xf32, #tpu.memory_space<vmem_shared>>) offsets(%dma_start3A_19 : memref<128xi32, #tpu.memory_space<vmem>>) semaphore(%run_scoped3A : memref<!tpu.dma_semaphore, #tpu.memory_space<semaphore_mem>>) {add = true}
        %dma_wait3A = arith.constant 0 : i32
        %dma_wait3A_22 = tpu.memref_slice %arg6[%add3A_17, %dma_wait3A] : memref<80x128xi32, #tpu.memory_space<vmem>> -> memref<1x128xi32, #tpu.memory_space<vmem>>
        %dma_wait3A_23 = tpu.memref_squeeze %dma_wait3A_22 : memref<1x128xi32, #tpu.memory_space<vmem>> -> memref<128xi32, #tpu.memory_space<vmem>>
        %dma_wait3A_24 = arith.constant 0 : i32
        %dma_wait3A_25 = tpu.memref_slice %arg8[%dma_wait3A_24] : memref<10112xf32, #tpu.memory_space<vmem_shared>> -> memref<10112xf32, #tpu.memory_space<vmem_shared>>
        tpu.wait_indirect_dma semaphore(%run_scoped3A : memref<!tpu.dma_semaphore, #tpu.memory_space<semaphore_mem>>) src(%arg7 : memref<128xf32, #tpu.memory_space<vmem>>) dst(%dma_wait3A_25 : memref<10112xf32, #tpu.memory_space<vmem_shared>>)
        tpu.yield
      }) : () -> ()
    }
    %scan3A_6 = arith.constant 80 : i32
    %barrier3A_7 = arith.constant 0 : index
    tpu.barrier barrier_id(%barrier3A_7)
    %eq3A_8 = arith.constant 0 : i32
    %eq3A_9 = arith.cmpi eq, %arg1, %eq3A_8 : i32
    %convert_element_type3A_10 = arith.extui %eq3A_9 : i1 to i32
    %cond3A_11 = arith.constant 0 : i32
    %cond3A_12 = arith.cmpi ne, %convert_element_type3A_10, %cond3A_11 : i32
    scf.if %cond3A_12 {
      "tpu.region"() ({
        %run_scoped3A = tpu.sem_alloc : memref<!tpu.dma_semaphore, #tpu.memory_space<semaphore_mem>>
        %dma_start3A = arith.constant 0 : i32
        %dma_start3A_13 = tpu.memref_slice %arg5[%arg0, %dma_start3A] : memref<2x10112xf32, #tpu.memory_space<hbm>> -> memref<1x10112xf32, #tpu.memory_space<hbm>>
        %dma_start3A_14 = tpu.memref_squeeze %dma_start3A_13 : memref<1x10112xf32, #tpu.memory_space<hbm>> -> memref<10112xf32, #tpu.memory_space<hbm>>
        tpu.enqueue_dma source(%arg8 : memref<10112xf32, #tpu.memory_space<vmem_shared>>) target(%dma_start3A_14 : memref<10112xf32, #tpu.memory_space<hbm>>) target_semaphore(%run_scoped3A : memref<!tpu.dma_semaphore, #tpu.memory_space<semaphore_mem>>)
        %dma_wait3A = arith.constant 0 : i32
        %dma_wait3A_15 = tpu.memref_slice %arg5[%arg0, %dma_wait3A] : memref<2x10112xf32, #tpu.memory_space<hbm>> -> memref<1x10112xf32, #tpu.memory_space<hbm>>
        %dma_wait3A_16 = tpu.memref_squeeze %dma_wait3A_15 : memref<1x10112xf32, #tpu.memory_space<hbm>> -> memref<10112xf32, #tpu.memory_space<hbm>>
        tpu.wait_dma2 semaphore(%run_scoped3A : memref<!tpu.dma_semaphore, #tpu.memory_space<semaphore_mem>>) src(%arg8 : memref<10112xf32, #tpu.memory_space<vmem_shared>>) dst(%dma_wait3A_16 : memref<10112xf32, #tpu.memory_space<hbm>>)
        tpu.yield
      }) : () -> ()
    } else {
    }
    return
  }
}

#map = affine_map<(d0, d1) -> (0, 0)>
#map1 = affine_map<(d0, d1) -> (0, 0, 0)>
module attributes {stable_mosaic.version = 14 : i64} {
  func.func @_sc_agg_body(%arg0: i32, %arg1: i32, %arg2: memref<10112x128xf32, #tpu.memory_space<hbm>>, %arg3: memref<32x80x128xi32, #tpu.memory_space<hbm>>, %arg4: memref<632x128xf32, #tpu.memory_space<hbm>>, %arg5: memref<2x10112x128xf32, #tpu.memory_space<hbm>>, %arg6: memref<80x128xi32, #tpu.memory_space<vmem>>, %arg7: memref<2x128xi32, #tpu.memory_space<vmem>>, %arg8: memref<2x128xi32, #tpu.memory_space<vmem>>, %arg9: memref<256x128xf32, #tpu.memory_space<vmem>>, %arg10: memref<10112x128xf32, #tpu.memory_space<vmem_shared>>, %arg11: memref<!tpu.dma_semaphore, #tpu.memory_space<semaphore_mem>>) attributes {dimension_semantics = [#tpu.dimension_semantics<core_parallel>, #tpu.dimension_semantics<subcore_parallel>], iteration_bounds = array<i64: 2, 16>, scalar_prefetch = 0 : i64, scratch_operands = 6 : i64, tpu.core_type = #tpu.core_type<sc_vector_subcore>, window_params = [{transform_indices = #map}, {transform_indices = #map1}, {transform_indices = #map}, {transform_indices = #map1}]} {
    %mul3A = arith.constant 16 : i32
    %mul3A_0 = arith.muli %arg0, %mul3A : i32
    %add3A = arith.addi %mul3A_0, %arg1 : i32
    %mul3A_1 = arith.constant 632 : i32
    %mul3A_2 = arith.muli %arg1, %mul3A_1 : i32
    "tpu.region"() ({
      %run_scoped3A = tpu.sem_alloc : memref<!tpu.dma_semaphore, #tpu.memory_space<semaphore_mem>>
      %dma_start3A = arith.constant 0 : i32
      %dma_start3A_12 = tpu.memref_slice %arg10[%mul3A_2, %dma_start3A] : memref<10112x128xf32, #tpu.memory_space<vmem_shared>> -> memref<632x128xf32, #tpu.memory_space<vmem_shared>>
      tpu.enqueue_dma source(%arg4 : memref<632x128xf32, #tpu.memory_space<hbm>>) target(%dma_start3A_12 : memref<632x128xf32, #tpu.memory_space<vmem_shared>>) target_semaphore(%run_scoped3A : memref<!tpu.dma_semaphore, #tpu.memory_space<semaphore_mem>>)
      %dma_wait3A = arith.constant 0 : i32
      %dma_wait3A_13 = tpu.memref_slice %arg10[%mul3A_2, %dma_wait3A] : memref<10112x128xf32, #tpu.memory_space<vmem_shared>> -> memref<632x128xf32, #tpu.memory_space<vmem_shared>>
      tpu.wait_dma2 semaphore(%run_scoped3A : memref<!tpu.dma_semaphore, #tpu.memory_space<semaphore_mem>>) src(%arg4 : memref<632x128xf32, #tpu.memory_space<hbm>>) dst(%dma_wait3A_13 : memref<632x128xf32, #tpu.memory_space<vmem_shared>>)
      tpu.yield
    }) : () -> ()
    "tpu.region"() ({
      %run_scoped3A = tpu.sem_alloc : memref<!tpu.dma_semaphore, #tpu.memory_space<semaphore_mem>>
      %dma_start3A = arith.constant 0 : i32
      %dma_start3A_12 = arith.constant 0 : i32
      %dma_start3A_13 = tpu.memref_slice %arg3[%add3A, %dma_start3A, %dma_start3A_12] : memref<32x80x128xi32, #tpu.memory_space<hbm>> -> memref<1x80x128xi32, #tpu.memory_space<hbm>>
      %dma_start3A_14 = tpu.memref_squeeze %dma_start3A_13 : memref<1x80x128xi32, #tpu.memory_space<hbm>> -> memref<80x128xi32, #tpu.memory_space<hbm>>
      %dma_start3A_15 = arith.constant 0 : i32
      %dma_start3A_16 = arith.constant 0 : i32
      %dma_start3A_17 = tpu.memref_slice %arg3[%add3A, %dma_start3A_15, %dma_start3A_16] : memref<32x80x128xi32, #tpu.memory_space<hbm>> -> memref<1x80x128xi32, #tpu.memory_space<hbm>>
      %dma_start3A_18 = tpu.memref_squeeze %dma_start3A_17 : memref<1x80x128xi32, #tpu.memory_space<hbm>> -> memref<80x128xi32, #tpu.memory_space<hbm>>
      tpu.enqueue_dma source(%dma_start3A_18 : memref<80x128xi32, #tpu.memory_space<hbm>>) target(%arg6 : memref<80x128xi32, #tpu.memory_space<vmem>>) target_semaphore(%run_scoped3A : memref<!tpu.dma_semaphore, #tpu.memory_space<semaphore_mem>>)
      %dma_wait3A = arith.constant 0 : i32
      %dma_wait3A_19 = arith.constant 0 : i32
      %dma_wait3A_20 = tpu.memref_slice %arg3[%add3A, %dma_wait3A, %dma_wait3A_19] : memref<32x80x128xi32, #tpu.memory_space<hbm>> -> memref<1x80x128xi32, #tpu.memory_space<hbm>>
      %dma_wait3A_21 = tpu.memref_squeeze %dma_wait3A_20 : memref<1x80x128xi32, #tpu.memory_space<hbm>> -> memref<80x128xi32, #tpu.memory_space<hbm>>
      %dma_wait3A_22 = arith.constant 0 : i32
      %dma_wait3A_23 = arith.constant 0 : i32
      %dma_wait3A_24 = tpu.memref_slice %arg3[%add3A, %dma_wait3A_22, %dma_wait3A_23] : memref<32x80x128xi32, #tpu.memory_space<hbm>> -> memref<1x80x128xi32, #tpu.memory_space<hbm>>
      %dma_wait3A_25 = tpu.memref_squeeze %dma_wait3A_24 : memref<1x80x128xi32, #tpu.memory_space<hbm>> -> memref<80x128xi32, #tpu.memory_space<hbm>>
      tpu.wait_dma2 semaphore(%run_scoped3A : memref<!tpu.dma_semaphore, #tpu.memory_space<semaphore_mem>>) src(%dma_wait3A_25 : memref<80x128xi32, #tpu.memory_space<hbm>>) dst(%arg6 : memref<80x128xi32, #tpu.memory_space<vmem>>)
      tpu.yield
    }) : () -> ()
    %barrier3A = arith.constant 0 : index
    tpu.barrier barrier_id(%barrier3A)
    %scan3A = arith.constant 0 : i32
    %scan3A_3 = arith.constant 40 : i32
    %scan3A_4 = arith.addi %scan3A, %scan3A_3 : i32
    %scan3A_5 = arith.constant 1 : i32
    scf.for %scan3A_12 = %scan3A to %scan3A_4 step %scan3A_5  : i32 {
      %mul3A_13 = arith.constant 2 : i32
      %mul3A_14 = arith.muli %scan3A_12, %mul3A_13 : i32
      %add3A_15 = arith.constant 0 : i32
      %add3A_16 = arith.addi %add3A_15, %mul3A_14 : i32
      %add3A_17 = arith.constant 0 : i32
      %add3A_18 = arith.addi %add3A_16, %add3A_17 : i32
      %dma_start3A = arith.constant 0 : i32
      %dma_start3A_19 = arith.constant 0 : i32
      %dma_start3A_20 = tpu.memref_slice %arg9[%dma_start3A, %dma_start3A_19] : memref<256x128xf32, #tpu.memory_space<vmem>> -> memref<128x128xf32, #tpu.memory_space<vmem>>
      %dma_start3A_21 = arith.constant 0 : i32
      %dma_start3A_22 = tpu.memref_slice %arg6[%add3A_18, %dma_start3A_21] : memref<80x128xi32, #tpu.memory_space<vmem>> -> memref<1x128xi32, #tpu.memory_space<vmem>>
      %dma_start3A_23 = tpu.memref_squeeze %dma_start3A_22 : memref<1x128xi32, #tpu.memory_space<vmem>> -> memref<128xi32, #tpu.memory_space<vmem>>
      %dma_start3A_24 = arith.constant 0 : i32
      %dma_start3A_25 = arith.constant 0 : i32
      %dma_start3A_26 = tpu.memref_slice %arg2[%dma_start3A_24, %dma_start3A_25] : memref<10112x128xf32, #tpu.memory_space<hbm>> -> memref<10112x128xf32, #tpu.memory_space<hbm>>
      tpu.enqueue_indirect_dma source(%dma_start3A_26 : memref<10112x128xf32, #tpu.memory_space<hbm>>) target(%dma_start3A_20 : memref<128x128xf32, #tpu.memory_space<vmem>>) offsets(%dma_start3A_23 : memref<128xi32, #tpu.memory_space<vmem>>) semaphore(%arg11 : memref<!tpu.dma_semaphore, #tpu.memory_space<semaphore_mem>>)
      %add3A_27 = arith.constant 1 : i32
      %add3A_28 = arith.addi %add3A_16, %add3A_27 : i32
      %dma_start3A_29 = arith.constant 128 : i32
      %dma_start3A_30 = arith.constant 0 : i32
      %dma_start3A_31 = tpu.memref_slice %arg9[%dma_start3A_29, %dma_start3A_30] : memref<256x128xf32, #tpu.memory_space<vmem>> -> memref<128x128xf32, #tpu.memory_space<vmem>>
      %dma_start3A_32 = arith.constant 0 : i32
      %dma_start3A_33 = tpu.memref_slice %arg6[%add3A_28, %dma_start3A_32] : memref<80x128xi32, #tpu.memory_space<vmem>> -> memref<1x128xi32, #tpu.memory_space<vmem>>
      %dma_start3A_34 = tpu.memref_squeeze %dma_start3A_33 : memref<1x128xi32, #tpu.memory_space<vmem>> -> memref<128xi32, #tpu.memory_space<vmem>>
      %dma_start3A_35 = arith.constant 0 : i32
      %dma_start3A_36 = arith.constant 0 : i32
      %dma_start3A_37 = tpu.memref_slice %arg2[%dma_start3A_35, %dma_start3A_36] : memref<10112x128xf32, #tpu.memory_space<hbm>> -> memref<10112x128xf32, #tpu.memory_space<hbm>>
      tpu.enqueue_indirect_dma source(%dma_start3A_37 : memref<10112x128xf32, #tpu.memory_space<hbm>>) target(%dma_start3A_31 : memref<128x128xf32, #tpu.memory_space<vmem>>) offsets(%dma_start3A_34 : memref<128xi32, #tpu.memory_space<vmem>>) semaphore(%arg11 : memref<!tpu.dma_semaphore, #tpu.memory_space<semaphore_mem>>)
      %dma_wait3A = arith.constant 0 : i32
      %dma_wait3A_38 = arith.constant 0 : i32
      %dma_wait3A_39 = tpu.memref_slice %arg9[%dma_wait3A, %dma_wait3A_38] : memref<256x128xf32, #tpu.memory_space<vmem>> -> memref<128x128xf32, #tpu.memory_space<vmem>>
      %dma_wait3A_40 = arith.constant 0 : i32
      %dma_wait3A_41 = tpu.memref_slice %arg6[%add3A_18, %dma_wait3A_40] : memref<80x128xi32, #tpu.memory_space<vmem>> -> memref<1x128xi32, #tpu.memory_space<vmem>>
      %dma_wait3A_42 = tpu.memref_squeeze %dma_wait3A_41 : memref<1x128xi32, #tpu.memory_space<vmem>> -> memref<128xi32, #tpu.memory_space<vmem>>
      %dma_wait3A_43 = arith.constant 0 : i32
      %dma_wait3A_44 = arith.constant 0 : i32
      %dma_wait3A_45 = tpu.memref_slice %arg2[%dma_wait3A_43, %dma_wait3A_44] : memref<10112x128xf32, #tpu.memory_space<hbm>> -> memref<10112x128xf32, #tpu.memory_space<hbm>>
      tpu.wait_indirect_dma semaphore(%arg11 : memref<!tpu.dma_semaphore, #tpu.memory_space<semaphore_mem>>) src(%dma_wait3A_45 : memref<10112x128xf32, #tpu.memory_space<hbm>>) dst(%dma_wait3A_39 : memref<128x128xf32, #tpu.memory_space<vmem>>)
      %dma_wait3A_46 = arith.constant 128 : i32
      %dma_wait3A_47 = arith.constant 0 : i32
      %dma_wait3A_48 = tpu.memref_slice %arg9[%dma_wait3A_46, %dma_wait3A_47] : memref<256x128xf32, #tpu.memory_space<vmem>> -> memref<128x128xf32, #tpu.memory_space<vmem>>
      %dma_wait3A_49 = arith.constant 0 : i32
      %dma_wait3A_50 = tpu.memref_slice %arg6[%add3A_28, %dma_wait3A_49] : memref<80x128xi32, #tpu.memory_space<vmem>> -> memref<1x128xi32, #tpu.memory_space<vmem>>
      %dma_wait3A_51 = tpu.memref_squeeze %dma_wait3A_50 : memref<1x128xi32, #tpu.memory_space<vmem>> -> memref<128xi32, #tpu.memory_space<vmem>>
      %dma_wait3A_52 = arith.constant 0 : i32
      %dma_wait3A_53 = arith.constant 0 : i32
      %dma_wait3A_54 = tpu.memref_slice %arg2[%dma_wait3A_52, %dma_wait3A_53] : memref<10112x128xf32, #tpu.memory_space<hbm>> -> memref<10112x128xf32, #tpu.memory_space<hbm>>
      tpu.wait_indirect_dma semaphore(%arg11 : memref<!tpu.dma_semaphore, #tpu.memory_space<semaphore_mem>>) src(%dma_wait3A_54 : memref<10112x128xf32, #tpu.memory_space<hbm>>) dst(%dma_wait3A_48 : memref<128x128xf32, #tpu.memory_space<vmem>>)
      %add3A_55 = arith.constant 0 : i32
      %add3A_56 = arith.addi %add3A_16, %add3A_55 : i32
      %dma_start3A_57 = arith.constant 0 : i32
      %dma_start3A_58 = arith.constant 0 : i32
      %dma_start3A_59 = tpu.memref_slice %arg9[%dma_start3A_57, %dma_start3A_58] : memref<256x128xf32, #tpu.memory_space<vmem>> -> memref<128x128xf32, #tpu.memory_space<vmem>>
      %dma_start3A_60 = arith.constant 0 : i32
      %dma_start3A_61 = tpu.memref_slice %arg6[%add3A_56, %dma_start3A_60] : memref<80x128xi32, #tpu.memory_space<vmem>> -> memref<1x128xi32, #tpu.memory_space<vmem>>
      %dma_start3A_62 = tpu.memref_squeeze %dma_start3A_61 : memref<1x128xi32, #tpu.memory_space<vmem>> -> memref<128xi32, #tpu.memory_space<vmem>>
      %dma_start3A_63 = arith.constant 0 : i32
      %dma_start3A_64 = arith.constant 0 : i32
      %dma_start3A_65 = tpu.memref_slice %arg10[%dma_start3A_63, %dma_start3A_64] : memref<10112x128xf32, #tpu.memory_space<vmem_shared>> -> memref<10112x128xf32, #tpu.memory_space<vmem_shared>>
      tpu.enqueue_indirect_dma source(%dma_start3A_59 : memref<128x128xf32, #tpu.memory_space<vmem>>) target(%dma_start3A_65 : memref<10112x128xf32, #tpu.memory_space<vmem_shared>>) offsets(%dma_start3A_62 : memref<128xi32, #tpu.memory_space<vmem>>) semaphore(%arg11 : memref<!tpu.dma_semaphore, #tpu.memory_space<semaphore_mem>>) {add = true}
      %add3A_66 = arith.constant 1 : i32
      %add3A_67 = arith.addi %add3A_16, %add3A_66 : i32
      %dma_start3A_68 = arith.constant 128 : i32
      %dma_start3A_69 = arith.constant 0 : i32
      %dma_start3A_70 = tpu.memref_slice %arg9[%dma_start3A_68, %dma_start3A_69] : memref<256x128xf32, #tpu.memory_space<vmem>> -> memref<128x128xf32, #tpu.memory_space<vmem>>
      %dma_start3A_71 = arith.constant 0 : i32
      %dma_start3A_72 = tpu.memref_slice %arg6[%add3A_67, %dma_start3A_71] : memref<80x128xi32, #tpu.memory_space<vmem>> -> memref<1x128xi32, #tpu.memory_space<vmem>>
      %dma_start3A_73 = tpu.memref_squeeze %dma_start3A_72 : memref<1x128xi32, #tpu.memory_space<vmem>> -> memref<128xi32, #tpu.memory_space<vmem>>
      %dma_start3A_74 = arith.constant 0 : i32
      %dma_start3A_75 = arith.constant 0 : i32
      %dma_start3A_76 = tpu.memref_slice %arg10[%dma_start3A_74, %dma_start3A_75] : memref<10112x128xf32, #tpu.memory_space<vmem_shared>> -> memref<10112x128xf32, #tpu.memory_space<vmem_shared>>
      tpu.enqueue_indirect_dma source(%dma_start3A_70 : memref<128x128xf32, #tpu.memory_space<vmem>>) target(%dma_start3A_76 : memref<10112x128xf32, #tpu.memory_space<vmem_shared>>) offsets(%dma_start3A_73 : memref<128xi32, #tpu.memory_space<vmem>>) semaphore(%arg11 : memref<!tpu.dma_semaphore, #tpu.memory_space<semaphore_mem>>) {add = true}
      %dma_wait3A_77 = arith.constant 0 : i32
      %dma_wait3A_78 = arith.constant 0 : i32
      %dma_wait3A_79 = tpu.memref_slice %arg9[%dma_wait3A_77, %dma_wait3A_78] : memref<256x128xf32, #tpu.memory_space<vmem>> -> memref<128x128xf32, #tpu.memory_space<vmem>>
      %dma_wait3A_80 = arith.constant 0 : i32
      %dma_wait3A_81 = tpu.memref_slice %arg6[%add3A_56, %dma_wait3A_80] : memref<80x128xi32, #tpu.memory_space<vmem>> -> memref<1x128xi32, #tpu.memory_space<vmem>>
      %dma_wait3A_82 = tpu.memref_squeeze %dma_wait3A_81 : memref<1x128xi32, #tpu.memory_space<vmem>> -> memref<128xi32, #tpu.memory_space<vmem>>
      %dma_wait3A_83 = arith.constant 0 : i32
      %dma_wait3A_84 = arith.constant 0 : i32
      %dma_wait3A_85 = tpu.memref_slice %arg10[%dma_wait3A_83, %dma_wait3A_84] : memref<10112x128xf32, #tpu.memory_space<vmem_shared>> -> memref<10112x128xf32, #tpu.memory_space<vmem_shared>>
      tpu.wait_indirect_dma semaphore(%arg11 : memref<!tpu.dma_semaphore, #tpu.memory_space<semaphore_mem>>) src(%dma_wait3A_79 : memref<128x128xf32, #tpu.memory_space<vmem>>) dst(%dma_wait3A_85 : memref<10112x128xf32, #tpu.memory_space<vmem_shared>>)
      %dma_wait3A_86 = arith.constant 128 : i32
      %dma_wait3A_87 = arith.constant 0 : i32
      %dma_wait3A_88 = tpu.memref_slice %arg9[%dma_wait3A_86, %dma_wait3A_87] : memref<256x128xf32, #tpu.memory_space<vmem>> -> memref<128x128xf32, #tpu.memory_space<vmem>>
      %dma_wait3A_89 = arith.constant 0 : i32
      %dma_wait3A_90 = tpu.memref_slice %arg6[%add3A_67, %dma_wait3A_89] : memref<80x128xi32, #tpu.memory_space<vmem>> -> memref<1x128xi32, #tpu.memory_space<vmem>>
      %dma_wait3A_91 = tpu.memref_squeeze %dma_wait3A_90 : memref<1x128xi32, #tpu.memory_space<vmem>> -> memref<128xi32, #tpu.memory_space<vmem>>
      %dma_wait3A_92 = arith.constant 0 : i32
      %dma_wait3A_93 = arith.constant 0 : i32
      %dma_wait3A_94 = tpu.memref_slice %arg10[%dma_wait3A_92, %dma_wait3A_93] : memref<10112x128xf32, #tpu.memory_space<vmem_shared>> -> memref<10112x128xf32, #tpu.memory_space<vmem_shared>>
      tpu.wait_indirect_dma semaphore(%arg11 : memref<!tpu.dma_semaphore, #tpu.memory_space<semaphore_mem>>) src(%dma_wait3A_88 : memref<128x128xf32, #tpu.memory_space<vmem>>) dst(%dma_wait3A_94 : memref<10112x128xf32, #tpu.memory_space<vmem_shared>>)
    }
    %scan3A_6 = arith.constant 40 : i32
    %barrier3A_7 = arith.constant 0 : index
    tpu.barrier barrier_id(%barrier3A_7)
    %mul3A_8 = arith.constant 632 : i32
    %mul3A_9 = arith.muli %arg1, %mul3A_8 : i32
    %mul3A_10 = arith.constant 632 : i32
    %mul3A_11 = arith.muli %arg1, %mul3A_10 : i32
    "tpu.region"() ({
      %run_scoped3A = tpu.sem_alloc : memref<!tpu.dma_semaphore, #tpu.memory_space<semaphore_mem>>
      %dma_start3A = arith.constant 0 : i32
      %dma_start3A_12 = tpu.memref_slice %arg5[%arg0, %mul3A_11, %dma_start3A] : memref<2x10112x128xf32, #tpu.memory_space<hbm>> -> memref<1x632x128xf32, #tpu.memory_space<hbm>>
      %dma_start3A_13 = tpu.memref_squeeze %dma_start3A_12 : memref<1x632x128xf32, #tpu.memory_space<hbm>> -> memref<632x128xf32, #tpu.memory_space<hbm>>
      %dma_start3A_14 = arith.constant 0 : i32
      %dma_start3A_15 = tpu.memref_slice %arg10[%mul3A_9, %dma_start3A_14] : memref<10112x128xf32, #tpu.memory_space<vmem_shared>> -> memref<632x128xf32, #tpu.memory_space<vmem_shared>>
      tpu.enqueue_dma source(%dma_start3A_15 : memref<632x128xf32, #tpu.memory_space<vmem_shared>>) target(%dma_start3A_13 : memref<632x128xf32, #tpu.memory_space<hbm>>) target_semaphore(%run_scoped3A : memref<!tpu.dma_semaphore, #tpu.memory_space<semaphore_mem>>)
      %dma_wait3A = arith.constant 0 : i32
      %dma_wait3A_16 = tpu.memref_slice %arg5[%arg0, %mul3A_11, %dma_wait3A] : memref<2x10112x128xf32, #tpu.memory_space<hbm>> -> memref<1x632x128xf32, #tpu.memory_space<hbm>>
      %dma_wait3A_17 = tpu.memref_squeeze %dma_wait3A_16 : memref<1x632x128xf32, #tpu.memory_space<hbm>> -> memref<632x128xf32, #tpu.memory_space<hbm>>
      %dma_wait3A_18 = arith.constant 0 : i32
      %dma_wait3A_19 = tpu.memref_slice %arg10[%mul3A_9, %dma_wait3A_18] : memref<10112x128xf32, #tpu.memory_space<vmem_shared>> -> memref<632x128xf32, #tpu.memory_space<vmem_shared>>
      tpu.wait_dma2 semaphore(%run_scoped3A : memref<!tpu.dma_semaphore, #tpu.memory_space<semaphore_mem>>) src(%dma_wait3A_19 : memref<632x128xf32, #tpu.memory_space<vmem_shared>>) dst(%dma_wait3A_17 : memref<632x128xf32, #tpu.memory_space<hbm>>)
      tpu.yield
    }) : () -> ()
    return
  }
}

module attributes {stable_mosaic.version = 14 : i64} {
  func.func @_tc1_body(%arg0: i32, %arg1: memref<1264x2xf32, #tpu.memory_space<vmem>>, %arg2: memref<1264x128xf32, #tpu.memory_space<vmem>>, %arg3: memref<128x128xf32, #tpu.memory_space<vmem>>, %arg4: memref<1264x128xf32, #tpu.memory_space<vmem>>) attributes {dimension_semantics = [#tpu.dimension_semantics<arbitrary>], iteration_bounds = array<i64: 8>, scalar_prefetch = 0 : i64, scratch_operands = 0 : i64, tpu.core_type = #tpu.core_type<tc>, window_params = [{transform_indices = @transform_0, window_bounds = array<i64: 1264, 2>}, {transform_indices = @transform_1, window_bounds = array<i64: 1264, 128>}, {pipeline_mode = #tpu.pipeline_mode<synchronous>, transform_indices = @transform_2, window_bounds = array<i64: 128, 128>}, {transform_indices = @transform_3, window_bounds = array<i64: 1264, 128>}]} {
    %get3A = arith.constant 0 : index
    %get3A_0 = arith.constant 0 : index
    %get3A_1 = vector.load %arg1[%get3A, %get3A_0] : memref<1264x2xf32, #tpu.memory_space<vmem>>, vector<1264x1xf32>
    %get3A_2 = arith.constant 0 : index
    %get3A_3 = arith.constant 1 : index
    %get3A_4 = vector.load %arg1[%get3A_2, %get3A_3] : memref<1264x2xf32, #tpu.memory_space<vmem>>, vector<1264x1xf32>
    %add3A = arith.addf %get3A_1, %get3A_4 : vector<1264x1xf32>
    %add3A_5 = arith.constant 1.000000e+00 : f32
    %add3A_6 = vector.broadcast %add3A_5 : f32 to vector<1264x1xf32>
    %add3A_7 = arith.addf %add3A, %add3A_6 : vector<1264x1xf32>
    %rsqrt3A = math.rsqrt %add3A_7 : vector<1264x1xf32>
    %get3A_8 = arith.constant 0 : index
    %get3A_9 = arith.constant 0 : index
    %get3A_10 = vector.load %arg2[%get3A_8, %get3A_9] : memref<1264x128xf32, #tpu.memory_space<vmem>>, vector<1264x128xf32>
    %get3A_11 = arith.constant 0 : index
    %get3A_12 = arith.constant 0 : index
    %get3A_13 = vector.load %arg3[%get3A_11, %get3A_12] : memref<128x128xf32, #tpu.memory_space<vmem>>, vector<128x128xf32>
    %dot_general3A = arith.constant dense<0.000000e+00> : vector<1264x128xf32>
    %dot_general3A_14 = tpu.matmul %get3A_10, %get3A_13, %dot_general3A {dimension_numbers = #tpu.dot_dimension_numbers<[1], [0], [0], [1], [0, 0, 1, 1], [], []>, transpose_lhs_hint = false} : vector<1264x128xf32>, vector<128x128xf32>, vector<1264x128xf32> -> vector<1264x128xf32>
    %mul3A = vector.broadcast %rsqrt3A : vector<1264x1xf32> to vector<1264x128xf32>
    %mul3A_15 = arith.mulf %mul3A, %dot_general3A_14 : vector<1264x128xf32>
    %swap3A = arith.constant 0 : index
    %swap3A_16 = arith.constant 0 : index
    %swap3A_17 = vector.load %arg4[%swap3A, %swap3A_16] : memref<1264x128xf32, #tpu.memory_space<vmem>>, vector<1264x128xf32>
    tpu.vector_store %arg4[%swap3A, %swap3A_16], %mul3A_15 {strides = array<i32>} : memref<1264x128xf32, #tpu.memory_space<vmem>>, vector<1264x128xf32>,
    return
  }
  func.func @transform_0(%arg0: i32) -> (i32, i32) {
    %c0_i32 = arith.constant 0 : i32
    %c0_i32_0 = arith.constant 0 : i32
    return %arg0, %c0_i32 : i32, i32
  }
  func.func @transform_1(%arg0: i32) -> (i32, i32) {
    %c0_i32 = arith.constant 0 : i32
    %c0_i32_0 = arith.constant 0 : i32
    return %arg0, %c0_i32 : i32, i32
  }
  func.func @transform_2(%arg0: i32) -> (i32, i32) {
    %c0_i32 = arith.constant 0 : i32
    %c0_i32_0 = arith.constant 0 : i32
    %c0_i32_1 = arith.constant 0 : i32
    return %c0_i32, %c0_i32_0 : i32, i32
  }
  func.func @transform_3(%arg0: i32) -> (i32, i32) {
    %c0_i32 = arith.constant 0 : i32
    %c0_i32_0 = arith.constant 0 : i32
    return %arg0, %c0_i32 : i32, i32
  }
}

module attributes {stable_mosaic.version = 14 : i64} {
  func.func @_tc2_body(%arg0: i32, %arg1: memref<2x1264x128xf32, #tpu.memory_space<vmem>>, %arg2: memref<1264x128xf32, #tpu.memory_space<vmem>>, %arg3: memref<1264x2xf32, #tpu.memory_space<vmem>>, %arg4: memref<1x128xf32, #tpu.memory_space<vmem>>, %arg5: memref<128x128xf32, #tpu.memory_space<vmem>>, %arg6: memref<1264x128xf32, #tpu.memory_space<vmem>>) attributes {dimension_semantics = [#tpu.dimension_semantics<arbitrary>], iteration_bounds = array<i64: 8>, scalar_prefetch = 0 : i64, scratch_operands = 0 : i64, tpu.core_type = #tpu.core_type<tc>, window_params = [{transform_indices = @transform_0, window_bounds = array<i64: 2, 1264, 128>}, {transform_indices = @transform_1, window_bounds = array<i64: 1264, 128>}, {transform_indices = @transform_2, window_bounds = array<i64: 1264, 2>}, {pipeline_mode = #tpu.pipeline_mode<synchronous>, transform_indices = @transform_3, window_bounds = array<i64: 1, 128>}, {pipeline_mode = #tpu.pipeline_mode<synchronous>, transform_indices = @transform_4, window_bounds = array<i64: 128, 128>}, {transform_indices = @transform_5, window_bounds = array<i64: 1264, 128>}]} {
    %get3A = arith.constant 0 : index
    %get3A_0 = arith.constant 0 : index
    %get3A_1 = vector.load %arg3[%get3A, %get3A_0] : memref<1264x2xf32, #tpu.memory_space<vmem>>, vector<1264x1xf32>
    %get3A_2 = arith.constant 0 : index
    %get3A_3 = arith.constant 1 : index
    %get3A_4 = vector.load %arg3[%get3A_2, %get3A_3] : memref<1264x2xf32, #tpu.memory_space<vmem>>, vector<1264x1xf32>
    %add3A = arith.addf %get3A_1, %get3A_4 : vector<1264x1xf32>
    %add3A_5 = arith.constant 1.000000e+00 : f32
    %add3A_6 = vector.broadcast %add3A_5 : f32 to vector<1264x1xf32>
    %add3A_7 = arith.addf %add3A, %add3A_6 : vector<1264x1xf32>
    %rsqrt3A = math.rsqrt %add3A_7 : vector<1264x1xf32>
    %get3A_8 = arith.constant 0 : index
    %get3A_9 = arith.constant 0 : index
    %get3A_10 = arith.constant 0 : index
    %get3A_11 = vector.load %arg1[%get3A_8, %get3A_9, %get3A_10] : memref<2x1264x128xf32, #tpu.memory_space<vmem>>, vector<1x1264x128xf32>
    %get3A_12 = vector.shape_cast %get3A_11 : vector<1x1264x128xf32> to vector<1264x128xf32>
    %get3A_13 = arith.constant 1 : index
    %get3A_14 = arith.constant 0 : index
    %get3A_15 = arith.constant 0 : index
    %get3A_16 = vector.load %arg1[%get3A_13, %get3A_14, %get3A_15] : memref<2x1264x128xf32, #tpu.memory_space<vmem>>, vector<1x1264x128xf32>
    %get3A_17 = vector.shape_cast %get3A_16 : vector<1x1264x128xf32> to vector<1264x128xf32>
    %add3A_18 = arith.addf %get3A_12, %get3A_17 : vector<1264x128xf32>
    %get3A_19 = arith.constant 0 : index
    %get3A_20 = arith.constant 0 : index
    %get3A_21 = vector.load %arg2[%get3A_19, %get3A_20] : memref<1264x128xf32, #tpu.memory_space<vmem>>, vector<1264x128xf32>
    %add3A_22 = arith.addf %add3A_18, %get3A_21 : vector<1264x128xf32>
    %mul3A = vector.broadcast %rsqrt3A : vector<1264x1xf32> to vector<1264x128xf32>
    %mul3A_23 = arith.mulf %mul3A, %add3A_22 : vector<1264x128xf32>
    %get3A_24 = arith.constant 0 : index
    %get3A_25 = arith.constant 0 : index
    %get3A_26 = vector.load %arg4[%get3A_24, %get3A_25] : memref<1x128xf32, #tpu.memory_space<vmem>>, vector<1x128xf32>
    %add3A_27 = vector.broadcast %get3A_26 : vector<1x128xf32> to vector<1264x128xf32>
    %add3A_28 = arith.addf %mul3A_23, %add3A_27 : vector<1264x128xf32>
    %max3A = arith.constant 0.000000e+00 : f32
    %max3A_29 = vector.broadcast %max3A : f32 to vector<1264x128xf32>
    %max3A_30 = arith.maximumf %add3A_28, %max3A_29 : vector<1264x128xf32>
    %get3A_31 = arith.constant 0 : index
    %get3A_32 = arith.constant 0 : index
    %get3A_33 = vector.load %arg5[%get3A_31, %get3A_32] : memref<128x128xf32, #tpu.memory_space<vmem>>, vector<128x128xf32>
    %dot_general3A = arith.constant dense<0.000000e+00> : vector<1264x128xf32>
    %dot_general3A_34 = tpu.matmul %max3A_30, %get3A_33, %dot_general3A {dimension_numbers = #tpu.dot_dimension_numbers<[1], [0], [0], [1], [0, 0, 1, 1], [], []>, transpose_lhs_hint = false} : vector<1264x128xf32>, vector<128x128xf32>, vector<1264x128xf32> -> vector<1264x128xf32>
    %mul3A_35 = vector.broadcast %rsqrt3A : vector<1264x1xf32> to vector<1264x128xf32>
    %mul3A_36 = arith.mulf %mul3A_35, %dot_general3A_34 : vector<1264x128xf32>
    %swap3A = arith.constant 0 : index
    %swap3A_37 = arith.constant 0 : index
    %swap3A_38 = vector.load %arg6[%swap3A, %swap3A_37] : memref<1264x128xf32, #tpu.memory_space<vmem>>, vector<1264x128xf32>
    tpu.vector_store %arg6[%swap3A, %swap3A_37], %mul3A_36 {strides = array<i32>} : memref<1264x128xf32, #tpu.memory_space<vmem>>, vector<1264x128xf32>,
    return
  }
  func.func @transform_0(%arg0: i32) -> (i32, i32, i32) {
    %c0_i32 = arith.constant 0 : i32
    %c0_i32_0 = arith.constant 0 : i32
    %c0_i32_1 = arith.constant 0 : i32
    return %c0_i32, %arg0, %c0_i32_0 : i32, i32, i32
  }
  func.func @transform_1(%arg0: i32) -> (i32, i32) {
    %c0_i32 = arith.constant 0 : i32
    %c0_i32_0 = arith.constant 0 : i32
    return %arg0, %c0_i32 : i32, i32
  }
  func.func @transform_2(%arg0: i32) -> (i32, i32) {
    %c0_i32 = arith.constant 0 : i32
    %c0_i32_0 = arith.constant 0 : i32
    return %arg0, %c0_i32 : i32, i32
  }
  func.func @transform_3(%arg0: i32) -> (i32, i32) {
    %c0_i32 = arith.constant 0 : i32
    %c0_i32_0 = arith.constant 0 : i32
    %c0_i32_1 = arith.constant 0 : i32
    return %c0_i32, %c0_i32_0 : i32, i32
  }
  func.func @transform_4(%arg0: i32) -> (i32, i32) {
    %c0_i32 = arith.constant 0 : i32
    %c0_i32_0 = arith.constant 0 : i32
    %c0_i32_1 = arith.constant 0 : i32
    return %c0_i32, %c0_i32_0 : i32, i32
  }
  func.func @transform_5(%arg0: i32) -> (i32, i32) {
    %c0_i32 = arith.constant 0 : i32
    %c0_i32_0 = arith.constant 0 : i32
    return %arg0, %c0_i32 : i32, i32
  }
}

module attributes {stable_mosaic.version = 14 : i64} {
  func.func @_tc3_body(%arg0: i32, %arg1: memref<2x1264x128xf32, #tpu.memory_space<vmem>>, %arg2: memref<1264x128xf32, #tpu.memory_space<vmem>>, %arg3: memref<1264x2xf32, #tpu.memory_space<vmem>>, %arg4: memref<1x128xf32, #tpu.memory_space<vmem>>, %arg5: memref<128x128xf32, #tpu.memory_space<vmem>>, %arg6: memref<1x128xf32, #tpu.memory_space<vmem>>, %arg7: memref<1264x128xf32, #tpu.memory_space<vmem>>) attributes {dimension_semantics = [#tpu.dimension_semantics<arbitrary>], iteration_bounds = array<i64: 8>, scalar_prefetch = 0 : i64, scratch_operands = 0 : i64, tpu.core_type = #tpu.core_type<tc>, window_params = [{transform_indices = @transform_0, window_bounds = array<i64: 2, 1264, 128>}, {transform_indices = @transform_1, window_bounds = array<i64: 1264, 128>}, {transform_indices = @transform_2, window_bounds = array<i64: 1264, 2>}, {pipeline_mode = #tpu.pipeline_mode<synchronous>, transform_indices = @transform_3, window_bounds = array<i64: 1, 128>}, {pipeline_mode = #tpu.pipeline_mode<synchronous>, transform_indices = @transform_4, window_bounds = array<i64: 128, 128>}, {pipeline_mode = #tpu.pipeline_mode<synchronous>, transform_indices = @transform_5, window_bounds = array<i64: 1, 128>}, {transform_indices = @transform_6, window_bounds = array<i64: 1264, 128>}]} {
    %get3A = arith.constant 0 : index
    %get3A_0 = arith.constant 0 : index
    %get3A_1 = vector.load %arg3[%get3A, %get3A_0] : memref<1264x2xf32, #tpu.memory_space<vmem>>, vector<1264x1xf32>
    %get3A_2 = arith.constant 0 : index
    %get3A_3 = arith.constant 1 : index
    %get3A_4 = vector.load %arg3[%get3A_2, %get3A_3] : memref<1264x2xf32, #tpu.memory_space<vmem>>, vector<1264x1xf32>
    %add3A = arith.addf %get3A_1, %get3A_4 : vector<1264x1xf32>
    %add3A_5 = arith.constant 1.000000e+00 : f32
    %add3A_6 = vector.broadcast %add3A_5 : f32 to vector<1264x1xf32>
    %add3A_7 = arith.addf %add3A, %add3A_6 : vector<1264x1xf32>
    %rsqrt3A = math.rsqrt %add3A_7 : vector<1264x1xf32>
    %get3A_8 = arith.constant 0 : index
    %get3A_9 = arith.constant 0 : index
    %get3A_10 = arith.constant 0 : index
    %get3A_11 = vector.load %arg1[%get3A_8, %get3A_9, %get3A_10] : memref<2x1264x128xf32, #tpu.memory_space<vmem>>, vector<1x1264x128xf32>
    %get3A_12 = vector.shape_cast %get3A_11 : vector<1x1264x128xf32> to vector<1264x128xf32>
    %get3A_13 = arith.constant 1 : index
    %get3A_14 = arith.constant 0 : index
    %get3A_15 = arith.constant 0 : index
    %get3A_16 = vector.load %arg1[%get3A_13, %get3A_14, %get3A_15] : memref<2x1264x128xf32, #tpu.memory_space<vmem>>, vector<1x1264x128xf32>
    %get3A_17 = vector.shape_cast %get3A_16 : vector<1x1264x128xf32> to vector<1264x128xf32>
    %add3A_18 = arith.addf %get3A_12, %get3A_17 : vector<1264x128xf32>
    %get3A_19 = arith.constant 0 : index
    %get3A_20 = arith.constant 0 : index
    %get3A_21 = vector.load %arg2[%get3A_19, %get3A_20] : memref<1264x128xf32, #tpu.memory_space<vmem>>, vector<1264x128xf32>
    %add3A_22 = arith.addf %add3A_18, %get3A_21 : vector<1264x128xf32>
    %mul3A = vector.broadcast %rsqrt3A : vector<1264x1xf32> to vector<1264x128xf32>
    %mul3A_23 = arith.mulf %mul3A, %add3A_22 : vector<1264x128xf32>
    %get3A_24 = arith.constant 0 : index
    %get3A_25 = arith.constant 0 : index
    %get3A_26 = vector.load %arg4[%get3A_24, %get3A_25] : memref<1x128xf32, #tpu.memory_space<vmem>>, vector<1x128xf32>
    %add3A_27 = vector.broadcast %get3A_26 : vector<1x128xf32> to vector<1264x128xf32>
    %add3A_28 = arith.addf %mul3A_23, %add3A_27 : vector<1264x128xf32>
    %max3A = arith.constant 0.000000e+00 : f32
    %max3A_29 = vector.broadcast %max3A : f32 to vector<1264x128xf32>
    %max3A_30 = arith.maximumf %add3A_28, %max3A_29 : vector<1264x128xf32>
    %get3A_31 = arith.constant 0 : index
    %get3A_32 = arith.constant 0 : index
    %get3A_33 = vector.load %arg5[%get3A_31, %get3A_32] : memref<128x128xf32, #tpu.memory_space<vmem>>, vector<128x128xf32>
    %dot_general3A = arith.constant dense<0.000000e+00> : vector<1264x128xf32>
    %dot_general3A_34 = tpu.matmul %max3A_30, %get3A_33, %dot_general3A {dimension_numbers = #tpu.dot_dimension_numbers<[1], [0], [0], [1], [0, 0, 1, 1], [], []>, transpose_lhs_hint = false} : vector<1264x128xf32>, vector<128x128xf32>, vector<1264x128xf32> -> vector<1264x128xf32>
    %get3A_35 = arith.constant 0 : index
    %get3A_36 = arith.constant 0 : index
    %get3A_37 = vector.load %arg6[%get3A_35, %get3A_36] : memref<1x128xf32, #tpu.memory_space<vmem>>, vector<1x128xf32>
    %add3A_38 = vector.broadcast %get3A_37 : vector<1x128xf32> to vector<1264x128xf32>
    %add3A_39 = arith.addf %dot_general3A_34, %add3A_38 : vector<1264x128xf32>
    %tanh3A = math.tanh %add3A_39 : vector<1264x128xf32>
    %swap3A = arith.constant 0 : index
    %swap3A_40 = arith.constant 0 : index
    %swap3A_41 = vector.load %arg7[%swap3A, %swap3A_40] : memref<1264x128xf32, #tpu.memory_space<vmem>>, vector<1264x128xf32>
    tpu.vector_store %arg7[%swap3A, %swap3A_40], %tanh3A {strides = array<i32>} : memref<1264x128xf32, #tpu.memory_space<vmem>>, vector<1264x128xf32>,
    return
  }
  func.func @transform_0(%arg0: i32) -> (i32, i32, i32) {
    %c0_i32 = arith.constant 0 : i32
    %c0_i32_0 = arith.constant 0 : i32
    %c0_i32_1 = arith.constant 0 : i32
    return %c0_i32, %arg0, %c0_i32_0 : i32, i32, i32
  }
  func.func @transform_1(%arg0: i32) -> (i32, i32) {
    %c0_i32 = arith.constant 0 : i32
    %c0_i32_0 = arith.constant 0 : i32
    return %arg0, %c0_i32 : i32, i32
  }
  func.func @transform_2(%arg0: i32) -> (i32, i32) {
    %c0_i32 = arith.constant 0 : i32
    %c0_i32_0 = arith.constant 0 : i32
    return %arg0, %c0_i32 : i32, i32
  }
  func.func @transform_3(%arg0: i32) -> (i32, i32) {
    %c0_i32 = arith.constant 0 : i32
    %c0_i32_0 = arith.constant 0 : i32
    %c0_i32_1 = arith.constant 0 : i32
    return %c0_i32, %c0_i32_0 : i32, i32
  }
  func.func @transform_4(%arg0: i32) -> (i32, i32) {
    %c0_i32 = arith.constant 0 : i32
    %c0_i32_0 = arith.constant 0 : i32
    %c0_i32_1 = arith.constant 0 : i32
    return %c0_i32, %c0_i32_0 : i32, i32
  }
  func.func @transform_5(%arg0: i32) -> (i32, i32) {
    %c0_i32 = arith.constant 0 : i32
    %c0_i32_0 = arith.constant 0 : i32
    %c0_i32_1 = arith.constant 0 : i32
    return %c0_i32, %c0_i32_0 : i32, i32
  }
  func.func @transform_6(%arg0: i32) -> (i32, i32) {
    %c0_i32 = arith.constant 0 : i32
    %c0_i32_0 = arith.constant 0 : i32
    return %arg0, %c0_i32 : i32, i32
  }
}

</mosaic_0001>

<sc_bundles>
// kernel: kernel.11.cloned.1.call-start
scs
__scs_entry_jumppad:
0x0: {  	(pc) =	sbr.rel $0x88, $3  }
0x1: {  	(tag) =	ssettag $0x0;
	lr =	simm.s32 $0x1  }
0x2: {  	[smem:$0x3F99] =	sst lr;
	_ =	strace $0xD0000000  }
0x3: {  	_ = 	snop  }
0x4: {  	_ = 	snop  }
0x5: {  	_ = 	snop  }
0x6: {  	_ = 	snop  }
0x7: {  	_ = 	snop  }
__scs_overlays_trampoline_lowered:
0x8: {  	[smem:$0x3FA8] =	sst s0  }
0x9: {  	[smem:$0x3FA9] =	sst s1  }
0xa: {  	[smem:$0x3FAA] =	sst s2  }
0xb: {  	[smem:$0x3FAB] =	sst s3  }
0xc: {  	[smem:$0x3FAC] =	sst s4  }
0xd: {  	[smem:$0x3FAD] =	sst s5  }
0xe: {  	[smem:$0x3FAE] =	sst s6  }
0xf: {  	[smem:$0x3FAF] =	sst s7  }
0x10: {  	[smem:$0x3FB0] =	sst s8  }
0x11: {  	[smem:$0x3FB1] =	sst s9;
	s0 =	simm.s32 @!p0 $0x0  }
0x12: {  	s1 =	sld [smem:$0x3F97];
	s0 =	simm.s32 @p0 $0x1  }
0x13: {  	[smem:$0x3FB2] =	sst s0;
	s0 =	simm.s32 @!p1 $0x0  }
0x14: {  	s2 =	sld [smem:$0x3F96];
	s0 =	simm.s32 @p1 $0x1  }
0x15: {  	[smem:$0x3FB3] =	sst s0;
	s0 =	simm.s32 @!p2 $0x0  }
0x16: {  	s3 =	sld [smem:$0x3FDB];
	s0 =	simm.s32 @p2 $0x1  }
0x17: {  	s4 =	simm.s32 $0x1BF5;
	[smem:$0x3FB5] =	sst s0  }
0x18: {  	s0 =	sld [smem:$0x3F98];
	_ =	swait.ge [sflag:s4], $0x0  }
0x19: {  	s7 =	sld [smem:$0x3F99]  }
0x1a: {  	s8 =	sadd.s32 $0xFFFFE003, lr  }
0x1b: {  	s9 =	sadd.s32 $0xFFFFFEF7, lr;
	s5 =	simm.s32 $0xFFFFFFFF;
	p2 =	slt.u32 s8, $0xFFFFF086  }
0x1c: {  	p1 =	slt.u32 s9, $0xF7A;
	s5 =	simm.s32 @!p2 $0x0  }
0x1d: {  	s5 =	simm.s32 @p1 $0x1;
	p0 =	seq.s32 s7, s2  }
0x1e: {  	s7 =	smul.u32 @!p0 $0xF7A, s2;
	p2 =	seq.s32 @!p0 s5, $0x0  }
0x1f: {  	s9 =	smul.u32 $0xF7A, s1;
	s8 =	simm.s32 @!p0 $0x1BF5;
	p2 =	por !p2, p0  }
0x20: {  	[sflag:s8] =	ssyncset.s32 @!p0 $0xFFFFF086;
	s6 =	sadd.s32 @!p0 s3, s7;
	s7 =	simm.s32 @!p0 $0x108  }
0x21: {  	s3 =	sadd.s32 s3, s9;
	s6 =	sadd.s32 @!p0 $0x88, s6;
	s7 =	simm.s32 @p2 $0x1082  }
0x22: {  	[simem:s7], [sflag:s8] =	dma.local @!p0 [hbm:s6], $0xF7A  }
0x23: {  	s9 =	sor.u32 $0xD0000000, s2;
	s6 =	simm.s32 $0x108;
	_ =	swait.ge @!p0 [sflag:s8], $0x0  }
0x24: {  	s3 =	sadd.s32 $0x88, s3;
	s6 =	simm.s32 @!p1 $0x1082;
	[sflag:s4] =	ssyncset.s32 $0xFFFFF086  }
0x25: {  	[simem:s6], [sflag:s4] =	dma.local [hbm:s3], $0xF7A  }
0x26: {  	[smem:$0x3F99] =	sst s1;
	(tag) =	ssettag s2;
	_ =	strace s9  }
0x27: {  	s1 =	sld [smem:$0x3FA9]  }
0x28: {  	s2 =	sld [smem:$0x3FAA]  }
0x29: {  	s4 =	sld [smem:$0x3FAC]  }
0x2a: {  	p0 =	seq.s32 s5, $0x0;
	s5 =	sld [smem:$0x3FAD]  }
0x2b: {  	s6 =	sld [smem:$0x3FAE]  }
0x2c: {  	s7 =	sld [smem:$0x3FAF]  }
0x2d: {  	s3 =	simm.s32 $0x108;
	s8 =	sld [smem:$0x3FB0]  }
0x2e: {  	s3 =	simm.s32 @!p0 $0x1082;
	s9 =	sld [smem:$0x3FB1]  }
0x2f: {  	lr =	sadd.s32 s0, s3;
	s0 =	sld [smem:$0x3FA8]  }
0x30: {  	s3 =	sld [smem:$0x3FAB]  }
0x31: {  	[smem:$0x3FB4] =	sst s10  }
0x32: {  	s10 =	sld [smem:$0x3FB2];
	_ =	sdelay $0x3  }
0x33: {  	p0 =	seq.s32 s10, $0x1;
	s10 =	sld [smem:$0x3FB4];
	_ =	sdelay $0x3  }
0x34: {  	[smem:$0x3FB4] =	sst s10  }
0x35: {  	s10 =	sld [smem:$0x3FB3];
	_ =	sdelay $0x3  }
0x36: {  	p1 =	seq.s32 s10, $0x1;
	s10 =	sld [smem:$0x3FB4];
	_ =	sdelay $0x3  }
0x37: {  	[smem:$0x3FB4] =	sst s10  }
0x38: {  	s10 =	sld [smem:$0x3FB5]  }
0x39: {  	_ = 	snop;
	(pc) =	sbr.ind lr, $3  }
0x3a: {  	_ = 	snop  }
0x3b: {  	_ = 	snop  }
0x3c: {  	p2 =	seq.s32 s10, $0x1;
	s10 =	sld [smem:$0x3FB4]  }
0x3d: {  	_ =	shalt  }
0x3e: {  	_ =	shalt  }
0x3f: {  	_ =	shalt  }
0x40: {  	_ =	shalt  }
0x41: {  	_ =	shalt  }
0x42: {  	_ =	shalt  }
0x43: {  	_ =	shalt  }
0x44: {  	_ =	shalt  }
0x45: {  	_ =	shalt  }
0x46: {  	_ =	shalt  }
0x47: {  	_ =	shalt  }
0x48: {  	_ =	shalt  }
0x49: {  	_ =	shalt  }
0x4a: {  	_ =	shalt  }
0x4b: {  	_ =	shalt  }
0x4c: {  	_ =	shalt  }
0x4d: {  	_ =	shalt  }
0x4e: {  	_ =	shalt  }
0x4f: {  	_ =	shalt  }
0x50: {  	_ =	shalt  }
0x51: {  	_ =	shalt  }
0x52: {  	_ =	shalt  }
0x53: {  	_ =	shalt  }
0x54: {  	_ =	shalt  }
0x55: {  	_ =	shalt  }
0x56: {  	_ =	shalt  }
0x57: {  	_ =	shalt  }
0x58: {  	_ =	shalt  }
0x59: {  	_ =	shalt  }
0x5a: {  	_ =	shalt  }
0x5b: {  	_ =	shalt  }
0x5c: {  	_ =	shalt  }
0x5d: {  	_ =	shalt  }
0x5e: {  	_ =	shalt  }
0x5f: {  	_ =	shalt  }
0x60: {  	_ =	shalt  }
0x61: {  	_ =	shalt  }
0x62: {  	_ =	shalt  }
0x63: {  	_ =	shalt  }
0x64: {  	_ =	shalt  }
0x65: {  	_ =	shalt  }
0x66: {  	_ =	shalt  }
0x67: {  	_ =	shalt  }
0x68: {  	_ =	shalt  }
0x69: {  	_ =	shalt  }
0x6a: {  	_ =	shalt  }
0x6b: {  	_ =	shalt  }
0x6c: {  	_ =	shalt  }
0x6d: {  	_ =	shalt  }
0x6e: {  	_ =	shalt  }
0x6f: {  	_ =	shalt  }
0x70: {  	_ =	shalt  }
0x71: {  	_ =	shalt  }
0x72: {  	_ =	shalt  }
0x73: {  	_ =	shalt  }
0x74: {  	_ =	shalt  }
0x75: {  	_ =	shalt  }
0x76: {  	_ =	shalt  }
0x77: {  	_ =	shalt  }
0x78: {  	_ =	shalt  }
0x79: {  	_ =	shalt  }
0x7a: {  	_ =	shalt  }
0x7b: {  	_ =	shalt  }
0x7c: {  	_ =	shalt  }
0x7d: {  	_ =	shalt  }
0x7e: {  	_ =	shalt  }
0x7f: {  	_ =	shalt  }
0x80: {  	_ =	shalt  }
0x81: {  	_ =	shalt  }
0x82: {  	_ =	shalt  }
0x83: {  	_ =	shalt  }
0x84: {  	_ =	shalt  }
0x85: {  	_ =	shalt  }
0x86: {  	_ =	shalt  }
0x87: {  	_ =	shalt  }
.Lfunc_end0:
.L_simem_size_0:
called_computation.1_lowered:
.L_overlay_start_0:
0x88: {  	s2 =	sld [smem:$0x3FD9]  }
0x89: {  	s3 =	sld [smem:$0x3FFE];
	_ =	sdelay $0x1  }
0x8a: {  	s1 =	srdreg.scid  }
0x8b: {  	s0 =	sand.u32 $0x1, s1  }
0x8c: {  	s16 =	sshll.u32 s0, $0xA;
	s2 =	sadd.s32 s3, s2  }
0x8d: {  	s2 =	sadd.s32 s2, s16  }
0x8e: {  	[smem:$0x3FC0] =	sst s2  }
0x8f: {  	_ = 	snop  }
0x90: {  	(tm) =	ssettm $0x1  }
0x91: {  	s17 =	sld [smem:$0x3FFB];
	_ =	sdelay $0x3  }
0x92: {  	_ =	strace s17  }
0x93: {  	s2 =	sld [smem:$0x3FFC];
	_ =	sdelay $0x3  }
0x94: {  	_ =	strace s2  }
0x95: {  	s2 =	sld [smem:$0x3FFD];
	_ =	sdelay $0x3  }
0x96: {  	_ =	strace s2  }
0x97: {  	_ =	strace $0x8FFFFFFF  }
0x98: {  	s18 =	sld [smem:$0x3FDB];
	_ =	sdelay $0x1  }
0x99: {  	s19 =	simm.s32 $_scs_section_size  }
0x9a: {  	s4 =	simm.s32 $_size__tile_overlayer_lowered;
	s5 =	simm.s32 $_tile_overlayer_lowered  }
0x9b: {  	s22 =	simm.s32 $0x1BFF;
	s21 =	sshll.u32 s5, $0x1;
	s2 =	sadd.s32 s19, s18  }
0x9c: {  	s6 =	simm.s32 $0x0;
	s20 =	sshll.u32 s4, $0x1;
	s4 =	sadd.s32 s21, s2  }
0x9d: {  	[timem:s6], [sflag:s22] =	dma.local [hbm:s4], s20  }
0x9e: {  	_ =	swait.ge [sflag:s22], s20  }
0x9f: {  	s3 =	ssub.s32 $0x0, s20;
	[sflag:s22] =	ssyncset.done $0x0  }
0xa0: {  	[sflag:s22] =	ssyncadd.s32 s3;
	_ =	sdelay $0x1  }
0xa1: {  	s23 =	simm.s32 $0x1B8B  }
0xa2: {  	_ =	swait.ge [sflag:s23], $0x1  }
0xa3: {  	[sflag:s23] =	ssyncset.done $0x0  }
0xa4: {  	s25 =	simm.s32 $0x1B8E;
	s24 =	sld [smem:$0x3FFE];
	[sflag:s23] =	ssyncadd.s32 $0xFFFFFFFF  }
0xa5: {  	s26 =	simm.s32 $execute0_lowered;
	[smem:$0x3FD2] =	sst s25  }
0xa6: {  	s4 =	sshll.u32 s26, $0x1;
	_ =	strace $0x80000049;
	[dreg:$0x1] =	wrdreg $0xFFFFFFFF  }
0xa7: {  	s28 =	simm.s32 $_size_execute0_lowered;
	s2 =	sadd.s32 s2, s4;
	[dreg:$0x0] =	wrdreg $0x0  }
0xa8: {  	s4 =	sshll.u32 s28, $0x1;
	[dreg:$0x2] =	wrdreg s2  }
0xa9: {  	[dreg:$0x3] =	wrdreg s4  }
0xaa: {  	[dreg:$0x4] =	wrdreg $0xC0  }
0xab: {  	_ =	task [dreg:s6], $0x5FFFF  }
0xac: {  	[dreg:$0x1] =	wrdreg $0xFFFFFFFF  }
0xad: {  	[dreg:$0x0] =	wrdreg $0x60  }
0xae: {  	[dreg:$0x2] =	wrdreg s24  }
0xaf: {  	[dreg:$0x3] =	wrdreg $0xA8000  }
0xb0: {  	[dreg:$0x4] =	wrdreg $0x9  }
0xb1: {  	_ =	task.clear_ibuf [dreg:s6], $0x5FFFF;
	_ =	strace $0x90000049  }
0xb2: {  	s29 =	simm.s32 $0x9;
	_ =	strace $0x8000004B  }
0xb3: {  	_ =	swait.ge [sflag:s29], $0x1  }
0xb4: {  	[sflag:s29] =	ssyncadd.s32 $0xFFFFFFFF  }
0xb5: {  	_ =	strace $0x9000004B  }
0xb6: {  	_ =	sfence  }
0xb7: {  	s30 =	sld [smem:$0x0];
	_ =	sdelay $0x2  }
0xb8: {  	s31 =	sshll.u32 s1, $0xD;
	s1 =	sshrl.u32 s1, $0x2  }
0xb9: {  	s3 =	sand.u32 $0x4000, s31;
	s1 =	sadd.s32 s1, s30  }
0xba: {  	s0 =	sor.u32 s3, s0;
	s1 =	sshll.u32 s1, $0x11  }
0xbb: {  	s0 =	sor.u32 s1, s0  }
0xbc: {  	s0 =	sadd.s32 $0x8F2B, s0  }
0xbd: {  	[sflag:s0] =	ssyncadd.remote.s32 $0x1  }
0xbe: {  	_ =	sfence.sel $0xFFFF  }
0xbf: {  	[dreg:$0x0] =	wrdreg $0xFFFFFFFF;
	(pc) =	sbr.abs _section_cstart, $3  }
0xc0: {  	[dreg:$0x1] =	wrdreg $0xFFFFFFFF  }
0xc1: {  	_ =	task.clear_ibuf [dreg:s6], $0x2FFFF;
	_ =	strace $0x9FFFFFFF  }
0xc2: {  	(tm) =	ssettm $0x7FFFFFFF  }
0xc3: {  	_ =	shalt  }
tec
execute0_lowered:
.L_overlay_start_1:
0x0: {  	(tag) =	ssettag $0x1  }
0x1: {  	s0 =	srdreg.scid;
	s6 =	rddreg [dreg:$0x0]  }
0x2: {  	s2 =	rddreg [dreg:$0x1];
	s3 =	simm.s32 $0x0;
	s12 =	simm.s32 $0x80  }
0x3: {  	s13 =	simm.s32 $0x2800;
	s14 =	simm.s32 $0x6800;
	s15 =	simm.s32 $0x1  }
0x4: {  	s16 =	simm.s32 $0x0;
	s5 =	sand.u32 $0x1, s0;
	s0 =	stileid.u32  }
0x5: {  	[smem:$0x7FF] =	sst s3;
	s4 =	sadd.s32 $0x16800, s6;
	s8 =	smul.u32 $0x13C000, s5  }
0x6: {  	s1 =	sshll.u32 s5, $0x4;
	s9 =	smul.u32 $0x13C00, s0;
	s28 =	ssub.s32 $0x2, s5  }
0x7: {  	s10 =	smul.u32 $0x4F000, s0;
	s5 =	sadd.s32 $0x2000, s6;
	s1 =	sor.u32 s0, s1  }
0x8: {  	s31 =	sshll.u32 s0, $0x6;
	s29 =	sshrl.u32 s28, $0x1;
	s7 =	smul.u32 $0x500, s1  }
0x9: {  	s1 =	rddreg [dreg:$0x2];
	_ =	strace $0x8000004A;
	s8 =	sadd.s32 s9, s8  }
0xa: {  	s9 =	ssub.s32 s28, s29;
	s30 =	sshrl.u32 s10, $0x2;
	s8 =	sshrl.u32 s8, $0x3  }
0xb: {  	s11 =	sadd.s32 s30, s2;
	s9 =	smax.u32 s9, $0x1;
	s7 =	sadd.s32 s7, s6  }
0xc: {  	s8 =	sadd.s32 s8, s6;
	s6 =	sor.u32 $0x1C02, s31;
	s10 =	sshrl.u32 s11, $0x3  }
0xd: {  	s11 =	simm.s32 $0x2;
	s7 =	sadd.s32 $0xC800, s7;
	s8 =	sadd.s32 $0x3E000, s8  }
.LBB2_1:
0xe: {  	[spmem:s10], [sflag:s6] =	dma.local [hbm:s5], $0x2780  }
0xf: {  	_ =	swait.ge [sflag:s11], $0x2780  }
0x10: {  	[sflag:s11] =	ssyncset.done $0x0  }
0x11: {  	[sflag:s11] =	ssyncadd.s32 $0xFFFFD880  }
0x12: {  	[tilespmem:s3], [sflag:$0x2] =	stream.linear.gather [hbm4b:s7+s3], $0x2800, $0x38;
	[tilespmem:$0x1E400] =	vst v63  }
0x13: {  	_ =	swait.ge [sflag:s11], $0x2800  }
0x14: {  	[sflag:s11] =	ssyncset.done $0x0  }
0x15: {  	[sflag:s11] =	ssyncadd.s32 $0xFFFFD800  }
0x16: {  	s17 =	simm.s32 $0x0;
	[bflag:$0x0] =	sbarrier.arrive $0xFFFF  }
0x17: {  	[tilespmem:s13], [sflag:$0x1] =	stream.indirect.gather [hbm4b:s4+s12], $0x80, s17, s12, $0xb8;
	[tilespmem:$0x1E400] =	vst v63  }
0x18: {  	s18 =	simm.s32 $0x80  }
0x19: {  	[tilespmem:s14], [sflag:$0x1] =	stream.indirect.gather [hbm4b:s4+s12], $0x80, s18, s12, $0xb8;
	[tilespmem:$0x1E400] =	vst v63  }
0x1a: {  	_ =	swait.ge [sflag:s15], $0x4000  }
0x1b: {  	[sflag:s15] =	ssyncset.done $0x0  }
0x1c: {  	[sflag:s15] =	ssyncadd.s32 $0xFFFFC000  }
0x1d: {  	_ =	swait.ge [sflag:s15], $0x4000  }
0x1e: {  	[sflag:s15] =	ssyncset.done $0x0  }
0x1f: {  	[sflag:s15] =	ssyncadd.s32 $0xFFFFC000  }
0x20: {  	[spmem:s2] =	stream.indirect.scatter.add.f32 [tilespmem:s13], [sflag:$0x1], $0x80, s17, s12, $0xb8;
	[tilespmem:$0x1E400] =	vst v63  }
0x21: {  	_ = 	snop  }
0x22: {  	[spmem:s2] =	stream.indirect.scatter.add.f32 [tilespmem:s14], [sflag:$0x1], $0x80, s18, s12, $0xb8;
	[tilespmem:$0x1E400] =	vst v63  }
0x23: {  	_ =	swait.ge [sflag:s15], $0x4000  }
0x24: {  	[sflag:s15] =	ssyncset.done $0x0  }
0x25: {  	[sflag:s15] =	ssyncadd.s32 $0xFFFFC000  }
0x26: {  	_ =	swait.ge [sflag:s15], $0x4000  }
0x27: {  	s17 =	simm.s32 $0x400;
	s18 =	simm.s32 $0x800;
	[sflag:s15] =	ssyncset.done $0x0  }
.LBB2_2:
0x28: {  	s19 =	sshra.s32 s17, $0x2  }
0x29: {  	[sflag:s15] =	ssyncadd.s32 $0xFFFFC000;
	s17 =	smov.u32 s18;
	s20 =	sadd.s32 $0x400, s18  }
0x2a: {  	[tilespmem:s13], [sflag:$0x1] =	stream.indirect.gather [hbm4b:s4+s12], $0x80, s19, s12, $0xb8;
	[tilespmem:$0x1E400] =	vst v63  }
0x2b: {  	p0 =	sne.s32 s18, $0x9C00;
	s18 =	sadd.s32 $0x80, s19  }
0x2c: {  	[tilespmem:s14], [sflag:$0x1] =	stream.indirect.gather [hbm4b:s4+s12], $0x80, s18, s12, $0xb8;
	[tilespmem:$0x1E400] =	vst v63  }
0x2d: {  	_ =	swait.ge [sflag:s15], $0x4000  }
0x2e: {  	[sflag:s15] =	ssyncset.done $0x0  }
0x2f: {  	[sflag:s15] =	ssyncadd.s32 $0xFFFFC000  }
0x30: {  	_ =	swait.ge [sflag:s15], $0x4000  }
0x31: {  	[sflag:s15] =	ssyncset.done $0x0  }
0x32: {  	[sflag:s15] =	ssyncadd.s32 $0xFFFFC000  }
0x33: {  	[spmem:s2] =	stream.indirect.scatter.add.f32 [tilespmem:s13], [sflag:$0x1], $0x80, s19, s12, $0xb8;
	[tilespmem:$0x1E400] =	vst v63  }
0x34: {  	_ = 	snop  }
0x35: {  	[spmem:s2] =	stream.indirect.scatter.add.f32 [tilespmem:s14], [sflag:$0x1], $0x80, s18, s12, $0xb8;
	[tilespmem:$0x1E400] =	vst v63  }
.Ltmp0:
0x36: {  	_ =	swait.ge [sflag:s15], $0x4000;
	(pc) =	sbr.rel @p0 .LBB2_2-.Ltmp0, $4  }
0x37: {  	[sflag:s15] =	ssyncset.done $0x0  }
0x38: {  	[sflag:s15] =	ssyncadd.s32 $0xFFFFC000  }
0x39: {  	_ =	swait.ge [sflag:s15], $0x4000  }
0x3a: {  	s18 =	smov.u32 s20;
	[sflag:s15] =	ssyncset.done $0x0  }
0x3b: {  	s17 =	sshra.s32 s17, $0x2;
	[sflag:s15] =	ssyncadd.s32 $0xFFFFC000  }
0x3c: {  	[tilespmem:s13], [sflag:$0x1] =	stream.indirect.gather [hbm4b:s4+s12], $0x80, s17, s12, $0xb8;
	[tilespmem:$0x1E400] =	vst v63  }
0x3d: {  	s18 =	sadd.s32 $0x80, s17  }
0x3e: {  	[tilespmem:s14], [sflag:$0x1] =	stream.indirect.gather [hbm4b:s4+s12], $0x80, s18, s12, $0xb8;
	[tilespmem:$0x1E400] =	vst v63  }
0x3f: {  	_ =	swait.ge [sflag:s15], $0x4000  }
0x40: {  	[sflag:s15] =	ssyncset.done $0x0  }
0x41: {  	[sflag:s15] =	ssyncadd.s32 $0xFFFFC000  }
0x42: {  	_ =	swait.ge [sflag:s15], $0x4000  }
0x43: {  	[sflag:s15] =	ssyncset.done $0x0  }
0x44: {  	[sflag:s15] =	ssyncadd.s32 $0xFFFFC000  }
0x45: {  	[spmem:s2] =	stream.indirect.scatter.add.f32 [tilespmem:s13], [sflag:$0x1], $0x80, s17, s12, $0xb8;
	[tilespmem:$0x1E400] =	vst v63  }
0x46: {  	_ = 	snop  }
0x47: {  	[spmem:s2] =	stream.indirect.scatter.add.f32 [tilespmem:s14], [sflag:$0x1], $0x80, s18, s12, $0xb8;
	[tilespmem:$0x1E400] =	vst v63  }
0x48: {  	_ =	swait.ge [sflag:s15], $0x4000  }
0x49: {  	[sflag:s15] =	ssyncset.done $0x0  }
0x4a: {  	[sflag:s15] =	ssyncadd.s32 $0xFFFFC000  }
0x4b: {  	_ =	swait.ge [sflag:s15], $0x4000  }
0x4c: {  	s16 =	sadd.s32 $0x1, s16;
	[sflag:s15] =	ssyncset.done $0x0  }
0x4d: {  	p0 =	sne.s32 s16, s9;
	[sflag:s15] =	ssyncadd.s32 $0xFFFFC000  }
.Ltmp1:
0x4e: {  	[bflag:$0x0] =	sbarrier.arrive $0xFFFF;
	(pc) =	sbr.rel @p0 .LBB2_1-.Ltmp1, $4  }
0x4f: {  	[hbm:s8], [sflag:s6] =	dma.local [spmem:s10], $0x2780  }
0x50: {  	_ =	swait.ge [sflag:s11], $0x2780  }
0x51: {  	[sflag:s11] =	ssyncset.done $0x0  }
0x52: {  	[sflag:s11] =	ssyncadd.s32 $0xFFFFD880  }
0x53: {  	_ =	sfence.sel $0x180000  }
0x54: {  	[bflag:$0x0] =	sbarrier.arrive $0xFFFF  }
0x55: {  	p0 =	sne.s32 s0, $0x0;
	_ =	strace $0x9000004A  }
0x56: {  	s0 =	sadd.s32 @!p0 $0x100000, s1;
	[bflag:$0x2] =	sbarrier.arrive $0xFFFF  }
0x57: {  	[sflag:s0] =	ssyncadd.tile.s32 @!p0 $0x1;
	_ =	shalt  }
.Lfunc_end2:
_tile_overlayer_lowered:
.L_overlay_start_2:
0x58: {  	(tag) =	ssettag $0x2  }
0x59: {  	s0 =	rddreg [dreg:$0x0];
	s2 =	stileid.u32  }
0x5a: {  	s1 =	rddreg [dreg:$0x1];
	p0 =	sne.s32 s2, $0x0  }
0x5b: {  	s3 =	rddreg [dreg:$0x2];
	[bflag:$0x3] =	sbarrier.arrive $0xFFFF;
	s2 =	simm.s32 @!p0 $0x1C02  }
0x5c: {  	[timem:s3], [sflag:s2] =	dma.local @!p0 [hbm:s0], s1  }
0x5d: {  	s0 =	simm.s32 @!p0 $0x2  }
0x5e: {  	_ =	swait.ge @!p0 [sflag:s0], s1  }
0x5f: {  	s1 =	ssub.s32 @!p0 $0x0, s1;
	[sflag:s0] =	ssyncset.done @!p0 $0x0  }
0x60: {  	[sflag:s0] =	ssyncadd.s32 @!p0 s1  }
0x61: {  	[bflag:$0x3] =	sbarrier.arrive $0xFFFF  }
0x62: {  	_ =	shalt  }

// kernel: kernel.14.cloned.1.call-start
scs
__scs_entry_jumppad:
0x0: {  	(pc) =	sbr.rel $0x88, $3  }
0x1: {  	(tag) =	ssettag $0x0;
	lr =	simm.s32 $0x1  }
0x2: {  	[smem:$0x3F99] =	sst lr;
	_ =	strace $0xD0000000  }
0x3: {  	_ = 	snop  }
0x4: {  	_ = 	snop  }
0x5: {  	_ = 	snop  }
0x6: {  	_ = 	snop  }
0x7: {  	_ = 	snop  }
__scs_overlays_trampoline_lowered:
0x8: {  	[smem:$0x3FA8] =	sst s0  }
0x9: {  	[smem:$0x3FA9] =	sst s1  }
0xa: {  	[smem:$0x3FAA] =	sst s2  }
0xb: {  	[smem:$0x3FAB] =	sst s3  }
0xc: {  	[smem:$0x3FAC] =	sst s4  }
0xd: {  	[smem:$0x3FAD] =	sst s5  }
0xe: {  	[smem:$0x3FAE] =	sst s6  }
0xf: {  	[smem:$0x3FAF] =	sst s7  }
0x10: {  	[smem:$0x3FB0] =	sst s8  }
0x11: {  	[smem:$0x3FB1] =	sst s9;
	s0 =	simm.s32 @!p0 $0x0  }
0x12: {  	s1 =	sld [smem:$0x3F97];
	s0 =	simm.s32 @p0 $0x1  }
0x13: {  	[smem:$0x3FB2] =	sst s0;
	s0 =	simm.s32 @!p1 $0x0  }
0x14: {  	s2 =	sld [smem:$0x3F96];
	s0 =	simm.s32 @p1 $0x1  }
0x15: {  	[smem:$0x3FB3] =	sst s0;
	s0 =	simm.s32 @!p2 $0x0  }
0x16: {  	s3 =	sld [smem:$0x3FDB];
	s0 =	simm.s32 @p2 $0x1  }
0x17: {  	s4 =	simm.s32 $0x1BF5;
	[smem:$0x3FB5] =	sst s0  }
0x18: {  	s0 =	sld [smem:$0x3F98];
	_ =	swait.ge [sflag:s4], $0x0  }
0x19: {  	s7 =	sld [smem:$0x3F99]  }
0x1a: {  	s8 =	sadd.s32 $0xFFFFE003, lr  }
0x1b: {  	s9 =	sadd.s32 $0xFFFFFEF7, lr;
	s5 =	simm.s32 $0xFFFFFFFF;
	p2 =	slt.u32 s8, $0xFFFFF086  }
0x1c: {  	p1 =	slt.u32 s9, $0xF7A;
	s5 =	simm.s32 @!p2 $0x0  }
0x1d: {  	s5 =	simm.s32 @p1 $0x1;
	p0 =	seq.s32 s7, s2  }
0x1e: {  	s7 =	smul.u32 @!p0 $0xF7A, s2;
	p2 =	seq.s32 @!p0 s5, $0x0  }
0x1f: {  	s9 =	smul.u32 $0xF7A, s1;
	s8 =	simm.s32 @!p0 $0x1BF5;
	p2 =	por !p2, p0  }
0x20: {  	[sflag:s8] =	ssyncset.s32 @!p0 $0xFFFFF086;
	s6 =	sadd.s32 @!p0 s3, s7;
	s7 =	simm.s32 @!p0 $0x108  }
0x21: {  	s3 =	sadd.s32 s3, s9;
	s6 =	sadd.s32 @!p0 $0x88, s6;
	s7 =	simm.s32 @p2 $0x1082  }
0x22: {  	[simem:s7], [sflag:s8] =	dma.local @!p0 [hbm:s6], $0xF7A  }
0x23: {  	s9 =	sor.u32 $0xD0000000, s2;
	s6 =	simm.s32 $0x108;
	_ =	swait.ge @!p0 [sflag:s8], $0x0  }
0x24: {  	s3 =	sadd.s32 $0x88, s3;
	s6 =	simm.s32 @!p1 $0x1082;
	[sflag:s4] =	ssyncset.s32 $0xFFFFF086  }
0x25: {  	[simem:s6], [sflag:s4] =	dma.local [hbm:s3], $0xF7A  }
0x26: {  	[smem:$0x3F99] =	sst s1;
	(tag) =	ssettag s2;
	_ =	strace s9  }
0x27: {  	s1 =	sld [smem:$0x3FA9]  }
0x28: {  	s2 =	sld [smem:$0x3FAA]  }
0x29: {  	s4 =	sld [smem:$0x3FAC]  }
0x2a: {  	p0 =	seq.s32 s5, $0x0;
	s5 =	sld [smem:$0x3FAD]  }
0x2b: {  	s6 =	sld [smem:$0x3FAE]  }
0x2c: {  	s7 =	sld [smem:$0x3FAF]  }
0x2d: {  	s3 =	simm.s32 $0x108;
	s8 =	sld [smem:$0x3FB0]  }
0x2e: {  	s3 =	simm.s32 @!p0 $0x1082;
	s9 =	sld [smem:$0x3FB1]  }
0x2f: {  	lr =	sadd.s32 s0, s3;
	s0 =	sld [smem:$0x3FA8]  }
0x30: {  	s3 =	sld [smem:$0x3FAB]  }
0x31: {  	[smem:$0x3FB4] =	sst s10  }
0x32: {  	s10 =	sld [smem:$0x3FB2];
	_ =	sdelay $0x3  }
0x33: {  	p0 =	seq.s32 s10, $0x1;
	s10 =	sld [smem:$0x3FB4];
	_ =	sdelay $0x3  }
0x34: {  	[smem:$0x3FB4] =	sst s10  }
0x35: {  	s10 =	sld [smem:$0x3FB3];
	_ =	sdelay $0x3  }
0x36: {  	p1 =	seq.s32 s10, $0x1;
	s10 =	sld [smem:$0x3FB4];
	_ =	sdelay $0x3  }
0x37: {  	[smem:$0x3FB4] =	sst s10  }
0x38: {  	s10 =	sld [smem:$0x3FB5]  }
0x39: {  	_ = 	snop;
	(pc) =	sbr.ind lr, $3  }
0x3a: {  	_ = 	snop  }
0x3b: {  	_ = 	snop  }
0x3c: {  	p2 =	seq.s32 s10, $0x1;
	s10 =	sld [smem:$0x3FB4]  }
0x3d: {  	_ =	shalt  }
0x3e: {  	_ =	shalt  }
0x3f: {  	_ =	shalt  }
0x40: {  	_ =	shalt  }
0x41: {  	_ =	shalt  }
0x42: {  	_ =	shalt  }
0x43: {  	_ =	shalt  }
0x44: {  	_ =	shalt  }
0x45: {  	_ =	shalt  }
0x46: {  	_ =	shalt  }
0x47: {  	_ =	shalt  }
0x48: {  	_ =	shalt  }
0x49: {  	_ =	shalt  }
0x4a: {  	_ =	shalt  }
0x4b: {  	_ =	shalt  }
0x4c: {  	_ =	shalt  }
0x4d: {  	_ =	shalt  }
0x4e: {  	_ =	shalt  }
0x4f: {  	_ =	shalt  }
0x50: {  	_ =	shalt  }
0x51: {  	_ =	shalt  }
0x52: {  	_ =	shalt  }
0x53: {  	_ =	shalt  }
0x54: {  	_ =	shalt  }
0x55: {  	_ =	shalt  }
0x56: {  	_ =	shalt  }
0x57: {  	_ =	shalt  }
0x58: {  	_ =	shalt  }
0x59: {  	_ =	shalt  }
0x5a: {  	_ =	shalt  }
0x5b: {  	_ =	shalt  }
0x5c: {  	_ =	shalt  }
0x5d: {  	_ =	shalt  }
0x5e: {  	_ =	shalt  }
0x5f: {  	_ =	shalt  }
0x60: {  	_ =	shalt  }
0x61: {  	_ =	shalt  }
0x62: {  	_ =	shalt  }
0x63: {  	_ =	shalt  }
0x64: {  	_ =	shalt  }
0x65: {  	_ =	shalt  }
0x66: {  	_ =	shalt  }
0x67: {  	_ =	shalt  }
0x68: {  	_ =	shalt  }
0x69: {  	_ =	shalt  }
0x6a: {  	_ =	shalt  }
0x6b: {  	_ =	shalt  }
0x6c: {  	_ =	shalt  }
0x6d: {  	_ =	shalt  }
0x6e: {  	_ =	shalt  }
0x6f: {  	_ =	shalt  }
0x70: {  	_ =	shalt  }
0x71: {  	_ =	shalt  }
0x72: {  	_ =	shalt  }
0x73: {  	_ =	shalt  }
0x74: {  	_ =	shalt  }
0x75: {  	_ =	shalt  }
0x76: {  	_ =	shalt  }
0x77: {  	_ =	shalt  }
0x78: {  	_ =	shalt  }
0x79: {  	_ =	shalt  }
0x7a: {  	_ =	shalt  }
0x7b: {  	_ =	shalt  }
0x7c: {  	_ =	shalt  }
0x7d: {  	_ =	shalt  }
0x7e: {  	_ =	shalt  }
0x7f: {  	_ =	shalt  }
0x80: {  	_ =	shalt  }
0x81: {  	_ =	shalt  }
0x82: {  	_ =	shalt  }
0x83: {  	_ =	shalt  }
0x84: {  	_ =	shalt  }
0x85: {  	_ =	shalt  }
0x86: {  	_ =	shalt  }
0x87: {  	_ =	shalt  }
.Lfunc_end0:
.L_simem_size_0:
called_computation.2_lowered:
.L_overlay_start_0:
0x88: {  	s2 =	sld [smem:$0x3FD9]  }
0x89: {  	s3 =	sld [smem:$0x3FFE];
	_ =	sdelay $0x1  }
0x8a: {  	s1 =	srdreg.scid  }
0x8b: {  	s0 =	sand.u32 $0x1, s1  }
0x8c: {  	s16 =	sshll.u32 s0, $0xA;
	s2 =	sadd.s32 s3, s2  }
0x8d: {  	s2 =	sadd.s32 s2, s16  }
0x8e: {  	[smem:$0x3FC0] =	sst s2  }
0x8f: {  	_ = 	snop  }
0x90: {  	(tm) =	ssettm $0x1  }
0x91: {  	s17 =	sld [smem:$0x3FFB];
	_ =	sdelay $0x3  }
0x92: {  	_ =	strace s17  }
0x93: {  	s2 =	sld [smem:$0x3FFC];
	_ =	sdelay $0x3  }
0x94: {  	_ =	strace s2  }
0x95: {  	s2 =	sld [smem:$0x3FFD];
	_ =	sdelay $0x3  }
0x96: {  	_ =	strace s2  }
0x97: {  	_ =	strace $0x8FFFFFFF  }
0x98: {  	s18 =	sld [smem:$0x3FDB];
	_ =	sdelay $0x1  }
0x99: {  	s19 =	simm.s32 $_scs_section_size  }
0x9a: {  	s4 =	simm.s32 $_size__tile_overlayer_lowered;
	s5 =	simm.s32 $_tile_overlayer_lowered  }
0x9b: {  	s22 =	simm.s32 $0x1BFF;
	s21 =	sshll.u32 s5, $0x1;
	s2 =	sadd.s32 s19, s18  }
0x9c: {  	s6 =	simm.s32 $0x0;
	s20 =	sshll.u32 s4, $0x1;
	s4 =	sadd.s32 s21, s2  }
0x9d: {  	[timem:s6], [sflag:s22] =	dma.local [hbm:s4], s20  }
0x9e: {  	_ =	swait.ge [sflag:s22], s20  }
0x9f: {  	s3 =	ssub.s32 $0x0, s20;
	[sflag:s22] =	ssyncset.done $0x0  }
0xa0: {  	[sflag:s22] =	ssyncadd.s32 s3;
	_ =	sdelay $0x1  }
0xa1: {  	s23 =	simm.s32 $0x1B8B  }
0xa2: {  	_ =	swait.ge [sflag:s23], $0x1  }
0xa3: {  	[sflag:s23] =	ssyncset.done $0x0  }
0xa4: {  	s25 =	simm.s32 $0x1B8E;
	s24 =	sld [smem:$0x3FFE];
	[sflag:s23] =	ssyncadd.s32 $0xFFFFFFFF  }
0xa5: {  	s26 =	simm.s32 $execute0_lowered;
	[smem:$0x3FD2] =	sst s25  }
0xa6: {  	s4 =	sshll.u32 s26, $0x1;
	_ =	strace $0x8000004C;
	[dreg:$0x1] =	wrdreg $0xFFFFFFFF  }
0xa7: {  	s28 =	simm.s32 $_size_execute0_lowered;
	s2 =	sadd.s32 s2, s4;
	[dreg:$0x0] =	wrdreg $0x0  }
0xa8: {  	s4 =	sshll.u32 s28, $0x1;
	[dreg:$0x2] =	wrdreg s2  }
0xa9: {  	[dreg:$0x3] =	wrdreg s4  }
0xaa: {  	[dreg:$0x4] =	wrdreg $0xC0  }
0xab: {  	_ =	task [dreg:s6], $0x5FFFF  }
0xac: {  	[dreg:$0x1] =	wrdreg $0xFFFFFFFF  }
0xad: {  	[dreg:$0x0] =	wrdreg $0x60  }
0xae: {  	[dreg:$0x2] =	wrdreg s24  }
0xaf: {  	[dreg:$0x3] =	wrdreg $0xA8000  }
0xb0: {  	[dreg:$0x4] =	wrdreg $0x9  }
0xb1: {  	_ =	task.clear_ibuf [dreg:s6], $0x5FFFF;
	_ =	strace $0x9000004C  }
0xb2: {  	s29 =	simm.s32 $0x9;
	_ =	strace $0x8000004E  }
0xb3: {  	_ =	swait.ge [sflag:s29], $0x1  }
0xb4: {  	[sflag:s29] =	ssyncadd.s32 $0xFFFFFFFF  }
0xb5: {  	_ =	strace $0x9000004E  }
0xb6: {  	_ =	sfence  }
0xb7: {  	s30 =	sld [smem:$0x0];
	_ =	sdelay $0x2  }
0xb8: {  	s31 =	sshll.u32 s1, $0xD;
	s1 =	sshrl.u32 s1, $0x2  }
0xb9: {  	s3 =	sand.u32 $0x4000, s31;
	s1 =	sadd.s32 s1, s30  }
0xba: {  	s0 =	sor.u32 s3, s0;
	s1 =	sshll.u32 s1, $0x11  }
0xbb: {  	s0 =	sor.u32 s1, s0  }
0xbc: {  	s0 =	sadd.s32 $0x8F2B, s0  }
0xbd: {  	[sflag:s0] =	ssyncadd.remote.s32 $0x1  }
0xbe: {  	_ =	sfence.sel $0xFFFF  }
0xbf: {  	[dreg:$0x0] =	wrdreg $0xFFFFFFFF;
	(pc) =	sbr.abs _section_cstart, $3  }
0xc0: {  	[dreg:$0x1] =	wrdreg $0xFFFFFFFF  }
0xc1: {  	_ =	task.clear_ibuf [dreg:s6], $0x2FFFF;
	_ =	strace $0x9FFFFFFF  }
0xc2: {  	(tm) =	ssettm $0x7FFFFFFF  }
0xc3: {  	_ =	shalt  }
tec
execute0_lowered:
.L_overlay_start_1:
0x0: {  	(tag) =	ssettag $0x1  }
0x1: {  	s0 =	srdreg.scid;
	s6 =	rddreg [dreg:$0x0]  }
0x2: {  	s2 =	rddreg [dreg:$0x1];
	s3 =	simm.s32 $0x0;
	s12 =	simm.s32 $0x80  }
0x3: {  	s13 =	simm.s32 $0x2800;
	s14 =	simm.s32 $0x6800;
	s15 =	simm.s32 $0x1  }
0x4: {  	s16 =	simm.s32 $0x0;
	s5 =	sand.u32 $0x1, s0;
	s0 =	stileid.u32  }
0x5: {  	[smem:$0x7FF] =	sst s3;
	s4 =	sadd.s32 $0x16800, s6;
	s8 =	smul.u32 $0x13C000, s5  }
0x6: {  	s1 =	sshll.u32 s5, $0x4;
	s9 =	smul.u32 $0x13C00, s0;
	s28 =	ssub.s32 $0x2, s5  }
0x7: {  	s10 =	smul.u32 $0x4F000, s0;
	s5 =	sadd.s32 $0x2000, s6;
	s1 =	sor.u32 s0, s1  }
0x8: {  	s31 =	sshll.u32 s0, $0x6;
	s29 =	sshrl.u32 s28, $0x1;
	s7 =	smul.u32 $0x500, s1  }
0x9: {  	s1 =	rddreg [dreg:$0x2];
	_ =	strace $0x8000004D;
	s8 =	sadd.s32 s9, s8  }
0xa: {  	s9 =	ssub.s32 s28, s29;
	s30 =	sshrl.u32 s10, $0x2;
	s8 =	sshrl.u32 s8, $0x3  }
0xb: {  	s11 =	sadd.s32 s30, s2;
	s9 =	smax.u32 s9, $0x1;
	s7 =	sadd.s32 s7, s6  }
0xc: {  	s8 =	sadd.s32 s8, s6;
	s6 =	sor.u32 $0x1C02, s31;
	s10 =	sshrl.u32 s11, $0x3  }
0xd: {  	s11 =	simm.s32 $0x2;
	s7 =	sadd.s32 $0xC800, s7;
	s8 =	sadd.s32 $0x3E000, s8  }
.LBB2_1:
0xe: {  	[spmem:s10], [sflag:s6] =	dma.local [hbm:s5], $0x2780  }
0xf: {  	_ =	swait.ge [sflag:s11], $0x2780  }
0x10: {  	[sflag:s11] =	ssyncset.done $0x0  }
0x11: {  	[sflag:s11] =	ssyncadd.s32 $0xFFFFD880  }
0x12: {  	[tilespmem:s3], [sflag:$0x2] =	stream.linear.gather [hbm4b:s7+s3], $0x2800, $0x38;
	[tilespmem:$0x1E400] =	vst v63  }
0x13: {  	_ =	swait.ge [sflag:s11], $0x2800  }
0x14: {  	[sflag:s11] =	ssyncset.done $0x0  }
0x15: {  	[sflag:s11] =	ssyncadd.s32 $0xFFFFD800  }
0x16: {  	s17 =	simm.s32 $0x0;
	[bflag:$0x0] =	sbarrier.arrive $0xFFFF  }
0x17: {  	[tilespmem:s13], [sflag:$0x1] =	stream.indirect.gather [hbm4b:s4+s12], $0x80, s17, s12, $0xb8;
	[tilespmem:$0x1E400] =	vst v63  }
0x18: {  	s18 =	simm.s32 $0x80  }
0x19: {  	[tilespmem:s14], [sflag:$0x1] =	stream.indirect.gather [hbm4b:s4+s12], $0x80, s18, s12, $0xb8;
	[tilespmem:$0x1E400] =	vst v63  }
0x1a: {  	_ =	swait.ge [sflag:s15], $0x4000  }
0x1b: {  	[sflag:s15] =	ssyncset.done $0x0  }
0x1c: {  	[sflag:s15] =	ssyncadd.s32 $0xFFFFC000  }
0x1d: {  	_ =	swait.ge [sflag:s15], $0x4000  }
0x1e: {  	[sflag:s15] =	ssyncset.done $0x0  }
0x1f: {  	[sflag:s15] =	ssyncadd.s32 $0xFFFFC000  }
0x20: {  	[spmem:s2] =	stream.indirect.scatter.add.f32 [tilespmem:s13], [sflag:$0x1], $0x80, s17, s12, $0xb8;
	[tilespmem:$0x1E400] =	vst v63  }
0x21: {  	_ = 	snop  }
0x22: {  	[spmem:s2] =	stream.indirect.scatter.add.f32 [tilespmem:s14], [sflag:$0x1], $0x80, s18, s12, $0xb8;
	[tilespmem:$0x1E400] =	vst v63  }
0x23: {  	_ =	swait.ge [sflag:s15], $0x4000  }
0x24: {  	[sflag:s15] =	ssyncset.done $0x0  }
0x25: {  	[sflag:s15] =	ssyncadd.s32 $0xFFFFC000  }
0x26: {  	_ =	swait.ge [sflag:s15], $0x4000  }
0x27: {  	s17 =	simm.s32 $0x400;
	s18 =	simm.s32 $0x800;
	[sflag:s15] =	ssyncset.done $0x0  }
.LBB2_2:
0x28: {  	s19 =	sshra.s32 s17, $0x2  }
0x29: {  	[sflag:s15] =	ssyncadd.s32 $0xFFFFC000;
	s17 =	smov.u32 s18;
	s20 =	sadd.s32 $0x400, s18  }
0x2a: {  	[tilespmem:s13], [sflag:$0x1] =	stream.indirect.gather [hbm4b:s4+s12], $0x80, s19, s12, $0xb8;
	[tilespmem:$0x1E400] =	vst v63  }
0x2b: {  	p0 =	sne.s32 s18, $0x9C00;
	s18 =	sadd.s32 $0x80, s19  }
0x2c: {  	[tilespmem:s14], [sflag:$0x1] =	stream.indirect.gather [hbm4b:s4+s12], $0x80, s18, s12, $0xb8;
	[tilespmem:$0x1E400] =	vst v63  }
0x2d: {  	_ =	swait.ge [sflag:s15], $0x4000  }
0x2e: {  	[sflag:s15] =	ssyncset.done $0x0  }
0x2f: {  	[sflag:s15] =	ssyncadd.s32 $0xFFFFC000  }
0x30: {  	_ =	swait.ge [sflag:s15], $0x4000  }
0x31: {  	[sflag:s15] =	ssyncset.done $0x0  }
0x32: {  	[sflag:s15] =	ssyncadd.s32 $0xFFFFC000  }
0x33: {  	[spmem:s2] =	stream.indirect.scatter.add.f32 [tilespmem:s13], [sflag:$0x1], $0x80, s19, s12, $0xb8;
	[tilespmem:$0x1E400] =	vst v63  }
0x34: {  	_ = 	snop  }
0x35: {  	[spmem:s2] =	stream.indirect.scatter.add.f32 [tilespmem:s14], [sflag:$0x1], $0x80, s18, s12, $0xb8;
	[tilespmem:$0x1E400] =	vst v63  }
.Ltmp0:
0x36: {  	_ =	swait.ge [sflag:s15], $0x4000;
	(pc) =	sbr.rel @p0 .LBB2_2-.Ltmp0, $4  }
0x37: {  	[sflag:s15] =	ssyncset.done $0x0  }
0x38: {  	[sflag:s15] =	ssyncadd.s32 $0xFFFFC000  }
0x39: {  	_ =	swait.ge [sflag:s15], $0x4000  }
0x3a: {  	s18 =	smov.u32 s20;
	[sflag:s15] =	ssyncset.done $0x0  }
0x3b: {  	s17 =	sshra.s32 s17, $0x2;
	[sflag:s15] =	ssyncadd.s32 $0xFFFFC000  }
0x3c: {  	[tilespmem:s13], [sflag:$0x1] =	stream.indirect.gather [hbm4b:s4+s12], $0x80, s17, s12, $0xb8;
	[tilespmem:$0x1E400] =	vst v63  }
0x3d: {  	s18 =	sadd.s32 $0x80, s17  }
0x3e: {  	[tilespmem:s14], [sflag:$0x1] =	stream.indirect.gather [hbm4b:s4+s12], $0x80, s18, s12, $0xb8;
	[tilespmem:$0x1E400] =	vst v63  }
0x3f: {  	_ =	swait.ge [sflag:s15], $0x4000  }
0x40: {  	[sflag:s15] =	ssyncset.done $0x0  }
0x41: {  	[sflag:s15] =	ssyncadd.s32 $0xFFFFC000  }
0x42: {  	_ =	swait.ge [sflag:s15], $0x4000  }
0x43: {  	[sflag:s15] =	ssyncset.done $0x0  }
0x44: {  	[sflag:s15] =	ssyncadd.s32 $0xFFFFC000  }
0x45: {  	[spmem:s2] =	stream.indirect.scatter.add.f32 [tilespmem:s13], [sflag:$0x1], $0x80, s17, s12, $0xb8;
	[tilespmem:$0x1E400] =	vst v63  }
0x46: {  	_ = 	snop  }
0x47: {  	[spmem:s2] =	stream.indirect.scatter.add.f32 [tilespmem:s14], [sflag:$0x1], $0x80, s18, s12, $0xb8;
	[tilespmem:$0x1E400] =	vst v63  }
0x48: {  	_ =	swait.ge [sflag:s15], $0x4000  }
0x49: {  	[sflag:s15] =	ssyncset.done $0x0  }
0x4a: {  	[sflag:s15] =	ssyncadd.s32 $0xFFFFC000  }
0x4b: {  	_ =	swait.ge [sflag:s15], $0x4000  }
0x4c: {  	s16 =	sadd.s32 $0x1, s16;
	[sflag:s15] =	ssyncset.done $0x0  }
0x4d: {  	p0 =	sne.s32 s16, s9;
	[sflag:s15] =	ssyncadd.s32 $0xFFFFC000  }
.Ltmp1:
0x4e: {  	[bflag:$0x0] =	sbarrier.arrive $0xFFFF;
	(pc) =	sbr.rel @p0 .LBB2_1-.Ltmp1, $4  }
0x4f: {  	[hbm:s8], [sflag:s6] =	dma.local [spmem:s10], $0x2780  }
0x50: {  	_ =	swait.ge [sflag:s11], $0x2780  }
0x51: {  	[sflag:s11] =	ssyncset.done $0x0  }
0x52: {  	[sflag:s11] =	ssyncadd.s32 $0xFFFFD880  }
0x53: {  	_ =	sfence.sel $0x180000  }
0x54: {  	[bflag:$0x0] =	sbarrier.arrive $0xFFFF  }
0x55: {  	p0 =	sne.s32 s0, $0x0;
	_ =	strace $0x9000004D  }
0x56: {  	s0 =	sadd.s32 @!p0 $0x100000, s1;
	[bflag:$0x2] =	sbarrier.arrive $0xFFFF  }
0x57: {  	[sflag:s0] =	ssyncadd.tile.s32 @!p0 $0x1;
	_ =	shalt  }
.Lfunc_end2:
_tile_overlayer_lowered:
.L_overlay_start_2:
0x58: {  	(tag) =	ssettag $0x2  }
0x59: {  	s0 =	rddreg [dreg:$0x0];
	s2 =	stileid.u32  }
0x5a: {  	s1 =	rddreg [dreg:$0x1];
	p0 =	sne.s32 s2, $0x0  }
0x5b: {  	s3 =	rddreg [dreg:$0x2];
	[bflag:$0x3] =	sbarrier.arrive $0xFFFF;
	s2 =	simm.s32 @!p0 $0x1C02  }
0x5c: {  	[timem:s3], [sflag:s2] =	dma.local @!p0 [hbm:s0], s1  }
0x5d: {  	s0 =	simm.s32 @!p0 $0x2  }
0x5e: {  	_ =	swait.ge @!p0 [sflag:s0], s1  }
0x5f: {  	s1 =	ssub.s32 @!p0 $0x0, s1;
	[sflag:s0] =	ssyncset.done @!p0 $0x0  }
0x60: {  	[sflag:s0] =	ssyncadd.s32 @!p0 s1  }
0x61: {  	[bflag:$0x3] =	sbarrier.arrive $0xFFFF  }
0x62: {  	_ =	shalt  }

// kernel: kernel.8.cloned.1.call-start
scs
__scs_entry_jumppad:
0x0: {  	(pc) =	sbr.rel $0x88, $3  }
0x1: {  	(tag) =	ssettag $0x0;
	lr =	simm.s32 $0x1  }
0x2: {  	[smem:$0x3F99] =	sst lr;
	_ =	strace $0xD0000000  }
0x3: {  	_ = 	snop  }
0x4: {  	_ = 	snop  }
0x5: {  	_ = 	snop  }
0x6: {  	_ = 	snop  }
0x7: {  	_ = 	snop  }
__scs_overlays_trampoline_lowered:
0x8: {  	[smem:$0x3FA8] =	sst s0  }
0x9: {  	[smem:$0x3FA9] =	sst s1  }
0xa: {  	[smem:$0x3FAA] =	sst s2  }
0xb: {  	[smem:$0x3FAB] =	sst s3  }
0xc: {  	[smem:$0x3FAC] =	sst s4  }
0xd: {  	[smem:$0x3FAD] =	sst s5  }
0xe: {  	[smem:$0x3FAE] =	sst s6  }
0xf: {  	[smem:$0x3FAF] =	sst s7  }
0x10: {  	[smem:$0x3FB0] =	sst s8  }
0x11: {  	[smem:$0x3FB1] =	sst s9;
	s0 =	simm.s32 @!p0 $0x0  }
0x12: {  	s1 =	sld [smem:$0x3F97];
	s0 =	simm.s32 @p0 $0x1  }
0x13: {  	[smem:$0x3FB2] =	sst s0;
	s0 =	simm.s32 @!p1 $0x0  }
0x14: {  	s2 =	sld [smem:$0x3F96];
	s0 =	simm.s32 @p1 $0x1  }
0x15: {  	[smem:$0x3FB3] =	sst s0;
	s0 =	simm.s32 @!p2 $0x0  }
0x16: {  	s3 =	sld [smem:$0x3FDB];
	s0 =	simm.s32 @p2 $0x1  }
0x17: {  	s4 =	simm.s32 $0x1BF5;
	[smem:$0x3FB5] =	sst s0  }
0x18: {  	s0 =	sld [smem:$0x3F98];
	_ =	swait.ge [sflag:s4], $0x0  }
0x19: {  	s7 =	sld [smem:$0x3F99]  }
0x1a: {  	s8 =	sadd.s32 $0xFFFFE003, lr  }
0x1b: {  	s9 =	sadd.s32 $0xFFFFFEF7, lr;
	s5 =	simm.s32 $0xFFFFFFFF;
	p2 =	slt.u32 s8, $0xFFFFF086  }
0x1c: {  	p1 =	slt.u32 s9, $0xF7A;
	s5 =	simm.s32 @!p2 $0x0  }
0x1d: {  	s5 =	simm.s32 @p1 $0x1;
	p0 =	seq.s32 s7, s2  }
0x1e: {  	s7 =	smul.u32 @!p0 $0xF7A, s2;
	p2 =	seq.s32 @!p0 s5, $0x0  }
0x1f: {  	s9 =	smul.u32 $0xF7A, s1;
	s8 =	simm.s32 @!p0 $0x1BF5;
	p2 =	por !p2, p0  }
0x20: {  	[sflag:s8] =	ssyncset.s32 @!p0 $0xFFFFF086;
	s6 =	sadd.s32 @!p0 s3, s7;
	s7 =	simm.s32 @!p0 $0x108  }
0x21: {  	s3 =	sadd.s32 s3, s9;
	s6 =	sadd.s32 @!p0 $0x88, s6;
	s7 =	simm.s32 @p2 $0x1082  }
0x22: {  	[simem:s7], [sflag:s8] =	dma.local @!p0 [hbm:s6], $0xF7A  }
0x23: {  	s9 =	sor.u32 $0xD0000000, s2;
	s6 =	simm.s32 $0x108;
	_ =	swait.ge @!p0 [sflag:s8], $0x0  }
0x24: {  	s3 =	sadd.s32 $0x88, s3;
	s6 =	simm.s32 @!p1 $0x1082;
	[sflag:s4] =	ssyncset.s32 $0xFFFFF086  }
0x25: {  	[simem:s6], [sflag:s4] =	dma.local [hbm:s3], $0xF7A  }
0x26: {  	[smem:$0x3F99] =	sst s1;
	(tag) =	ssettag s2;
	_ =	strace s9  }
0x27: {  	s1 =	sld [smem:$0x3FA9]  }
0x28: {  	s2 =	sld [smem:$0x3FAA]  }
0x29: {  	s4 =	sld [smem:$0x3FAC]  }
0x2a: {  	p0 =	seq.s32 s5, $0x0;
	s5 =	sld [smem:$0x3FAD]  }
0x2b: {  	s6 =	sld [smem:$0x3FAE]  }
0x2c: {  	s7 =	sld [smem:$0x3FAF]  }
0x2d: {  	s3 =	simm.s32 $0x108;
	s8 =	sld [smem:$0x3FB0]  }
0x2e: {  	s3 =	simm.s32 @!p0 $0x1082;
	s9 =	sld [smem:$0x3FB1]  }
0x2f: {  	lr =	sadd.s32 s0, s3;
	s0 =	sld [smem:$0x3FA8]  }
0x30: {  	s3 =	sld [smem:$0x3FAB]  }
0x31: {  	[smem:$0x3FB4] =	sst s10  }
0x32: {  	s10 =	sld [smem:$0x3FB2];
	_ =	sdelay $0x3  }
0x33: {  	p0 =	seq.s32 s10, $0x1;
	s10 =	sld [smem:$0x3FB4];
	_ =	sdelay $0x3  }
0x34: {  	[smem:$0x3FB4] =	sst s10  }
0x35: {  	s10 =	sld [smem:$0x3FB3];
	_ =	sdelay $0x3  }
0x36: {  	p1 =	seq.s32 s10, $0x1;
	s10 =	sld [smem:$0x3FB4];
	_ =	sdelay $0x3  }
0x37: {  	[smem:$0x3FB4] =	sst s10  }
0x38: {  	s10 =	sld [smem:$0x3FB5]  }
0x39: {  	_ = 	snop;
	(pc) =	sbr.ind lr, $3  }
0x3a: {  	_ = 	snop  }
0x3b: {  	_ = 	snop  }
0x3c: {  	p2 =	seq.s32 s10, $0x1;
	s10 =	sld [smem:$0x3FB4]  }
0x3d: {  	_ =	shalt  }
0x3e: {  	_ =	shalt  }
0x3f: {  	_ =	shalt  }
0x40: {  	_ =	shalt  }
0x41: {  	_ =	shalt  }
0x42: {  	_ =	shalt  }
0x43: {  	_ =	shalt  }
0x44: {  	_ =	shalt  }
0x45: {  	_ =	shalt  }
0x46: {  	_ =	shalt  }
0x47: {  	_ =	shalt  }
0x48: {  	_ =	shalt  }
0x49: {  	_ =	shalt  }
0x4a: {  	_ =	shalt  }
0x4b: {  	_ =	shalt  }
0x4c: {  	_ =	shalt  }
0x4d: {  	_ =	shalt  }
0x4e: {  	_ =	shalt  }
0x4f: {  	_ =	shalt  }
0x50: {  	_ =	shalt  }
0x51: {  	_ =	shalt  }
0x52: {  	_ =	shalt  }
0x53: {  	_ =	shalt  }
0x54: {  	_ =	shalt  }
0x55: {  	_ =	shalt  }
0x56: {  	_ =	shalt  }
0x57: {  	_ =	shalt  }
0x58: {  	_ =	shalt  }
0x59: {  	_ =	shalt  }
0x5a: {  	_ =	shalt  }
0x5b: {  	_ =	shalt  }
0x5c: {  	_ =	shalt  }
0x5d: {  	_ =	shalt  }
0x5e: {  	_ =	shalt  }
0x5f: {  	_ =	shalt  }
0x60: {  	_ =	shalt  }
0x61: {  	_ =	shalt  }
0x62: {  	_ =	shalt  }
0x63: {  	_ =	shalt  }
0x64: {  	_ =	shalt  }
0x65: {  	_ =	shalt  }
0x66: {  	_ =	shalt  }
0x67: {  	_ =	shalt  }
0x68: {  	_ =	shalt  }
0x69: {  	_ =	shalt  }
0x6a: {  	_ =	shalt  }
0x6b: {  	_ =	shalt  }
0x6c: {  	_ =	shalt  }
0x6d: {  	_ =	shalt  }
0x6e: {  	_ =	shalt  }
0x6f: {  	_ =	shalt  }
0x70: {  	_ =	shalt  }
0x71: {  	_ =	shalt  }
0x72: {  	_ =	shalt  }
0x73: {  	_ =	shalt  }
0x74: {  	_ =	shalt  }
0x75: {  	_ =	shalt  }
0x76: {  	_ =	shalt  }
0x77: {  	_ =	shalt  }
0x78: {  	_ =	shalt  }
0x79: {  	_ =	shalt  }
0x7a: {  	_ =	shalt  }
0x7b: {  	_ =	shalt  }
0x7c: {  	_ =	shalt  }
0x7d: {  	_ =	shalt  }
0x7e: {  	_ =	shalt  }
0x7f: {  	_ =	shalt  }
0x80: {  	_ =	shalt  }
0x81: {  	_ =	shalt  }
0x82: {  	_ =	shalt  }
0x83: {  	_ =	shalt  }
0x84: {  	_ =	shalt  }
0x85: {  	_ =	shalt  }
0x86: {  	_ =	shalt  }
0x87: {  	_ =	shalt  }
.Lfunc_end0:
.L_simem_size_0:
called_computation_lowered:
.L_overlay_start_0:
0x88: {  	s2 =	sld [smem:$0x3FD9]  }
0x89: {  	s3 =	sld [smem:$0x3FFE];
	_ =	sdelay $0x1  }
0x8a: {  	s1 =	srdreg.scid  }
0x8b: {  	s0 =	sand.u32 $0x1, s1  }
0x8c: {  	s17 =	sshll.u32 s0, $0xA;
	s2 =	sadd.s32 s3, s2  }
0x8d: {  	s2 =	sadd.s32 s2, s17  }
0x8e: {  	[smem:$0x3FC0] =	sst s2  }
0x8f: {  	_ = 	snop  }
0x90: {  	s2 =	sld [smem:$0x3FD0];
	(tm) =	ssettm $0x1  }
0x91: {  	s18 =	sld [smem:$0x3FFB];
	_ =	sdelay $0x3  }
0x92: {  	_ =	strace s18  }
0x93: {  	s3 =	sld [smem:$0x3FFC];
	_ =	sdelay $0x3  }
0x94: {  	_ =	strace s3  }
0x95: {  	s3 =	sld [smem:$0x3FFD];
	_ =	sdelay $0x3  }
0x96: {  	_ =	strace s3  }
0x97: {  	_ =	strace $0x8FFFFFFF  }
0x98: {  	s19 =	sld [smem:$0x3FDB];
	_ =	sdelay $0x1  }
0x99: {  	s4 =	simm.s32 $_scs_section_size  }
0x9a: {  	s5 =	simm.s32 $_size__tile_overlayer_lowered;
	s6 =	simm.s32 $_tile_overlayer_lowered  }
0x9b: {  	s22 =	simm.s32 $0x1BFF;
	s21 =	sshll.u32 s6, $0x1;
	s3 =	sadd.s32 s4, s19  }
0x9c: {  	s7 =	simm.s32 $0x0;
	s20 =	sshll.u32 s5, $0x1;
	s5 =	sadd.s32 s21, s3  }
0x9d: {  	[timem:s7], [sflag:s22] =	dma.local [hbm:s5], s20  }
0x9e: {  	_ =	swait.ge [sflag:s22], s20  }
0x9f: {  	s4 =	ssub.s32 $0x0, s20;
	[sflag:s22] =	ssyncset.done $0x0  }
0xa0: {  	[sflag:s22] =	ssyncadd.s32 s4;
	_ =	sdelay $0x1  }
0xa1: {  	s23 =	simm.s32 $0x1B8B  }
0xa2: {  	_ =	swait.ge [sflag:s23], $0x1  }
0xa3: {  	[sflag:s23] =	ssyncset.done $0x0  }
0xa4: {  	s25 =	simm.s32 $0x1B8E;
	s24 =	sld [smem:$0x3FFE];
	[sflag:s23] =	ssyncadd.s32 $0xFFFFFFFF  }
0xa5: {  	s26 =	simm.s32 $execute0_lowered;
	[smem:$0x3FD2] =	sst s25  }
0xa6: {  	s5 =	sshll.u32 s26, $0x1;
	_ =	strace $0x80000046;
	[dreg:$0x1] =	wrdreg $0xFFFFFFFF  }
0xa7: {  	s28 =	simm.s32 $_size_execute0_lowered;
	s3 =	sadd.s32 s3, s5;
	[dreg:$0x0] =	wrdreg $0x0  }
0xa8: {  	s5 =	sshll.u32 s28, $0x1;
	[dreg:$0x2] =	wrdreg s3  }
0xa9: {  	[dreg:$0x3] =	wrdreg s5  }
0xaa: {  	[dreg:$0x4] =	wrdreg $0xC0  }
0xab: {  	_ =	task [dreg:s7], $0x5FFFF  }
0xac: {  	[dreg:$0x1] =	wrdreg $0xFFFFFFFF  }
0xad: {  	[dreg:$0x0] =	wrdreg $0x60  }
0xae: {  	[dreg:$0x2] =	wrdreg s24  }
0xaf: {  	[dreg:$0x3] =	wrdreg s2  }
0xb0: {  	[dreg:$0x4] =	wrdreg $0x28800  }
0xb1: {  	[dreg:$0x5] =	wrdreg $0x9  }
0xb2: {  	_ =	task.clear_ibuf [dreg:s7], $0x6FFFF;
	_ =	strace $0x90000046  }
0xb3: {  	s29 =	simm.s32 $0x9;
	_ =	strace $0x80000048  }
0xb4: {  	_ =	swait.ge [sflag:s29], $0x1  }
0xb5: {  	[sflag:s29] =	ssyncadd.s32 $0xFFFFFFFF  }
0xb6: {  	_ =	strace $0x90000048  }
0xb7: {  	_ =	sfence  }
0xb8: {  	s30 =	sld [smem:$0x0];
	_ =	sdelay $0x2  }
0xb9: {  	s31 =	sshll.u32 s1, $0xD;
	s1 =	sshrl.u32 s1, $0x2  }
0xba: {  	s3 =	sand.u32 $0x4000, s31;
	s1 =	sadd.s32 s1, s30  }
0xbb: {  	s0 =	sor.u32 s3, s0;
	s1 =	sshll.u32 s1, $0x11  }
0xbc: {  	s0 =	sor.u32 s1, s0  }
0xbd: {  	s0 =	sadd.s32 $0x8F2B, s0  }
0xbe: {  	[sflag:s0] =	ssyncadd.remote.s32 $0x1  }
0xbf: {  	_ =	sfence.sel $0xFFFF  }
0xc0: {  	[dreg:$0x0] =	wrdreg $0xFFFFFFFF;
	(pc) =	sbr.abs _section_cstart, $3  }
0xc1: {  	[dreg:$0x1] =	wrdreg $0xFFFFFFFF  }
0xc2: {  	_ =	task.clear_ibuf [dreg:s7], $0x2FFFF;
	_ =	strace $0x9FFFFFFF  }
0xc3: {  	(tm) =	ssettm $0x7FFFFFFF  }
tec
execute0_lowered:
.L_overlay_start_1:
0x0: {  	(tag) =	ssettag $0x1  }
0x1: {  	s0 =	srdreg.scid;
	s4 =	rddreg [dreg:$0x0]  }
0x2: {  	s6 =	rddreg [dreg:$0x1];
	s8 =	stileid.u32  }
0x3: {  	s1 =	rddreg [dreg:$0x2];
	s2 =	simm.s32 $0x0;
	s11 =	simm.s32 $0x80  }
0x4: {  	s12 =	simm.s32 $0x0;
	s3 =	sand.u32 $0x1, s0;
	s0 =	rddreg [dreg:$0x3]  }
0x5: {  	[smem:$0x7FF] =	sst s2;
	p0 =	sne.s32 s8, $0x0;
	s7 =	sshll.u32 s3, $0x4  }
0x6: {  	s9 =	ssub.s32 $0x2, s3;
	_ =	strace $0x80000047;
	s5 =	sor.u32 s8, s7  }
0x7: {  	s3 =	sadd.s32 $0xC600, s4;
	s10 =	sshrl.u32 s9, $0x1;
	s5 =	smul.u32 $0x500, s5  }
0x8: {  	s6 =	sadd.s32 s6, s7;
	s8 =	simm.s32 $0x1;
	s9 =	ssub.s32 s9, s10  }
0x9: {  	s10 =	sshrl.u32 @!p0 s1, $0x3;
	s7 =	smax.u32 s9, $0x1;
	s5 =	sadd.s32 s5, s4  }
0xa: {  	s9 =	simm.s32 $0x2800;
	s4 =	sadd.s32 $0xC000, s4;
	s5 =	sadd.s32 $0x2000, s5  }
.LBB2_1:
0xb: {  	[tilespmem:s2], [sflag:$0x1] =	stream.linear.gather [hbm4b:s5+s2], $0x2800, $0x38;
	[tilespmem:$0x2AF8] =	vst v63  }
0xc: {  	_ =	swait.ge [sflag:s8], $0x2800  }
0xd: {  	[sflag:s8] =	ssyncset.done $0x0  }
0xe: {  	[sflag:s8] =	ssyncadd.s32 $0xFFFFD800  }
0xf: {  	[tilespmem:s9], [sflag:$0x1] =	stream.linear.gather [hbm4b:s3+s2], $0x80, $0x38;
	[tilespmem:$0x2AF8] =	vst v63  }
0x10: {  	_ =	swait.ge [sflag:s8], $0x80  }
0x11: {  	[sflag:s8] =	ssyncset.done $0x0  }
0x12: {  	s13 =	simm.s32 @!p0 $0x1C01;
	[sflag:s8] =	ssyncadd.s32 $0xFFFFFF80  }
0x13: {  	[spmem:s10], [sflag:s13] =	dma.local @!p0 [hbm:s4], $0x4F0  }
0x14: {  	s13 =	simm.s32 @!p0 $0x1  }
0x15: {  	_ =	swait.ge @!p0 [sflag:s13], $0x4F0  }
0x16: {  	[sflag:s13] =	ssyncset.done @!p0 $0x0  }
0x17: {  	[sflag:s13] =	ssyncadd.s32 @!p0 $0xFFFFFB10  }
0x18: {  	s31 =	simm.s32 $0x0;
	[bflag:$0x0] =	sbarrier.arrive $0xFFFF  }
0x19: {  	[spmem:s1] =	stream.indirect.scatter.add.f32 [tilespmem:s9], [sflag:$0x1], $0x1, s31, s11, $0xb8;
	[tilespmem:$0x2AF8] =	vst v63  }
0x1a: {  	_ =	swait.ge [sflag:s8], $0x80  }
0x1b: {  	s13 =	simm.s32 $0x200;
	[sflag:s8] =	ssyncset.done $0x0  }
.LBB2_2:
0x1c: {  	s14 =	sshra.s32 s13, $0x2;
	[sflag:s8] =	ssyncadd.s32 $0xFFFFFF80;
	p1 =	sne.s32 s13, $0x9E00  }
0x1d: {  	[spmem:s1] =	stream.indirect.scatter.add.f32 [tilespmem:s9], [sflag:$0x1], $0x1, s14, s11, $0xb8;
	[tilespmem:$0x2AF8] =	vst v63  }
.Ltmp0:
0x1e: {  	_ = 	snop;
	(pc) =	sbr.rel @p1 .LBB2_2-.Ltmp0, $4  }
0x1f: {  	_ = 	snop  }
0x20: {  	s13 =	sadd.s32 $0x200, s13  }
0x21: {  	_ =	swait.ge [sflag:s8], $0x80  }
0x22: {  	[sflag:s8] =	ssyncset.done $0x0  }
0x23: {  	[sflag:s8] =	ssyncadd.s32 $0xFFFFFF80;
	s13 =	simm.s32 @!p0 $0x1;
	s12 =	sadd.s32 $0x1, s12  }
0x24: {  	s14 =	simm.s32 @!p0 $0x20;
	s15 =	simm.s32 @!p0 $0x10;
	p1 =	sne.s32 s12, s7  }
.Ltmp1:
0x25: {  	s16 =	simm.s32 @!p0 $0x1C01;
	[bflag:$0x0] =	sbarrier.arrive $0xFFFF;
	(pc) =	sbr.rel @p1 .LBB2_1-.Ltmp1, $4  }
0x26: {  	[hbm:s6@s14], [sflag:s16] =	dma.strided @!p0 [spmem:s10@s15], $0x4F0, s13, $0x10   }
0x27: {  	_ =	swait.ge @!p0 [sflag:s13], $0x4F0  }
0x28: {  	[sflag:s13] =	ssyncset.done @!p0 $0x0  }
0x29: {  	[sflag:s13] =	ssyncadd.s32 @!p0 $0xFFFFFB10  }
0x2a: {  	_ =	sfence.sel $0x180000  }
0x2b: {  	[bflag:$0x0] =	sbarrier.arrive $0xFFFF  }
0x2c: {  	_ =	strace $0x90000047  }
0x2d: {  	s0 =	sadd.s32 @!p0 $0x100000, s0;
	[bflag:$0x2] =	sbarrier.arrive $0xFFFF  }
0x2e: {  	[sflag:s0] =	ssyncadd.tile.s32 @!p0 $0x1;
	_ =	shalt  }
.Lfunc_end2:
_tile_overlayer_lowered:
.L_overlay_start_2:
0x2f: {  	(tag) =	ssettag $0x2  }
0x30: {  	s0 =	rddreg [dreg:$0x0];
	s2 =	stileid.u32  }
0x31: {  	s1 =	rddreg [dreg:$0x1];
	p0 =	sne.s32 s2, $0x0  }
0x32: {  	s3 =	rddreg [dreg:$0x2];
	[bflag:$0x3] =	sbarrier.arrive $0xFFFF;
	s2 =	simm.s32 @!p0 $0x1C01  }
0x33: {  	[timem:s3], [sflag:s2] =	dma.local @!p0 [hbm:s0], s1  }
0x34: {  	s0 =	simm.s32 @!p0 $0x1  }
0x35: {  	_ =	swait.ge @!p0 [sflag:s0], s1  }
0x36: {  	s1 =	ssub.s32 @!p0 $0x0, s1;
	[sflag:s0] =	ssyncset.done @!p0 $0x0  }
0x37: {  	[sflag:s0] =	ssyncadd.s32 @!p0 s1  }
0x38: {  	[bflag:$0x3] =	sbarrier.arrive $0xFFFF  }
0x39: {  	_ =	shalt  }

</sc_bundles>
